<compile_context>
chip_gen: v7x
topology: tpu7x:2x2x1
jax: 0.10.2.dev20260603
libtpu: 0.0.44.dev20260713+nightly
codegen_flags: <defaults>
</compile_context>

<pallas_src>
import functools
import math

import numpy as np
import jax
import jax.numpy as jnp
from jax import lax
from jax.experimental import pallas as pl
from jax.experimental.pallas import tpu as pltpu

RCA = 3.5
NB, NN = 16, 48
NPAIRS = 10
NQUAD = 128
T_RAW = NN * (NN - 1) // 2
T_PAD = 1152
HALF = NN // 2

_SHFZ = np.array([0.19634954, 0.58904862, 0.9817477, 1.37444679, 1.76714587,
                  2.15984495, 2.55254403, 2.94524311], dtype=np.float64)
_SHFA = [0.9, 1.22857143, 1.55714286, 1.88571429, 2.21428571, 2.54285714,
         2.87142857, 3.2]
_CZ = [float(v) for v in 0.5 * np.cos(_SHFZ)]
_SN = [float(v) for v in 0.5 * np.sin(_SHFZ)]
_PI = float(math.pi)

_jj, _kk = np.triu_indices(NN, k=1)
_JJ = np.zeros(T_PAD, dtype=np.int32)
_KK = np.zeros(T_PAD, dtype=np.int32)
_JJ[:T_RAW] = _jj
_KK[:T_RAW] = _kk
_PADMASK = np.zeros((1, T_PAD), dtype=np.float32)
_PADMASK[0, :T_RAW] = 1.0


def _fc(d):
    return 0.5 * jnp.cos((_PI / RCA) * d) + 0.5


def _body(rij_ref, rik_ref, rjk_ref, spj_ref, spk_ref, pad_ref, out_ref,
          w_ref, f_ref):
    rij = rij_ref[0]
    rik = rik_ref[0]
    rjk = rjk_ref[0]
    spj = spj_ref[0]
    spk = spk_ref[0]
    padm = pad_ref[0]

    mask = ((rij < RCA) & (rij > 0.0) & (rik < RCA) & (rik > 0.0)
            & (padm > 0.5))
    fmask = jnp.where(mask, 1.0, 0.0)
    r1 = jnp.where(mask, rij, 1.0)
    r2 = jnp.where(mask, rik, 1.0)
    r3 = jnp.where(mask, jnp.broadcast_to(rjk, rij.shape), 1.0)

    num = r1 * r1 + r2 * r2 - r3 * r3
    den = jnp.maximum(2.0 * r1 * r2, 1e-10)
    c = 0.95 * (num / den)
    s = jnp.sqrt(jnp.maximum(1.0 - c * c, 0.0))
    pre = 2.0 * _fc(r1) * _fc(r2) * fmask
    ravg = 0.5 * (r1 + r2)

    amin = jnp.minimum(spj, spk)
    bmax = jnp.maximum(spj, spk)
    pidx = amin * 3 - lax.shift_right_logical(amin * (amin - 1), 1) + bmax

    preg2 = []
    for sa in range(8):
        t2 = ravg - _SHFA[sa]
        preg2.append(pre * jnp.exp(-8.0 * (t2 * t2)))

    for p in range(NPAIRS):
        binm = (pidx == p)
        for sa in range(8):
            w_ref[:, p * 8 + sa, :] = jnp.where(binm, preg2[sa], 0.0)
    for sz in range(8):
        base = 0.5 + c * _CZ[sz] + s * _SN[sz]
        b2 = base * base
        b4 = b2 * b2
        v8 = b4 * b4
        v16 = v8 * v8
        f_ref[:, sz, :] = v8
        f_ref[:, 8 + sz, :] = v16 * v16

    def mm(i, _):
        w = w_ref[i]
        f = f_ref[i]
        o = lax.dot_general(w, f, (((1,), (1,)), ((), ())),
                            preferred_element_type=jnp.float32)
        out_ref[0, i] = o
        return 0

    lax.fori_loop(0, HALF, mm, 0)


def kernel(distance_matrices, num_species_batch):
    D = distance_matrices
    sp = num_species_batch.astype(jnp.int32)
    jj = jnp.asarray(_JJ)
    kk = jnp.asarray(_KK)

    rij = jnp.take(D, jj, axis=2)
    rik = jnp.take(D, kk, axis=2)
    rjk = D[:, jj, kk].reshape(NB, 1, T_PAD)
    spj = jnp.take(sp, jj, axis=1).reshape(NB, 1, T_PAD)
    spk = jnp.take(sp, kk, axis=1).reshape(NB, 1, T_PAD)
    padm = jnp.asarray(_PADMASK).reshape(1, 1, T_PAD)

    grid = (NB, 2)
    out = pl.pallas_call(
        _body,
        grid=grid,
        in_specs=[
            pl.BlockSpec((1, HALF, T_PAD), lambda b, h: (b, h, 0)),
            pl.BlockSpec((1, HALF, T_PAD), lambda b, h: (b, h, 0)),
            pl.BlockSpec((1, 1, T_PAD), lambda b, h: (b, 0, 0)),
            pl.BlockSpec((1, 1, T_PAD), lambda b, h: (b, 0, 0)),
            pl.BlockSpec((1, 1, T_PAD), lambda b, h: (b, 0, 0)),
            pl.BlockSpec((1, 1, T_PAD), lambda b, h: (0, 0, 0)),
        ],
        out_specs=pl.BlockSpec((1, HALF, NPAIRS * 8, 16),
                               lambda b, h: (b, h, 0, 0)),
        out_shape=jax.ShapeDtypeStruct((NB, NN, NPAIRS * 8, 16), jnp.float32),
        scratch_shapes=[
            pltpu.VMEM((HALF, NPAIRS * 8, T_PAD), jnp.float32),
            pltpu.VMEM((HALF, 16, T_PAD), jnp.float32),
        ],
    )(rij, rik, rjk, spj, spk, padm)
    return out.reshape(NB, NN, NPAIRS * NQUAD)

# --- scband reference (transcript-rebuilt; emitter-appended) ---
"""Pipeline reference for scband-angular-aevcomputer-44092134260987 (READ-ONLY COPY).

The authoritative reference and input builder live on the scoring server;
editing this copy changes nothing except your own understanding.
"""

import jax, jax.numpy as jnp
import numpy as np
import math

VOCABULARY = ["H", "C", "N", "O"]
NUM_ELEMENTS = len(VOCABULARY)
RCA = 3.5
ZETA = np.array([8.0, 32.0], dtype=np.float32)
SHFZ = np.array([0.19634954, 0.58904862, 0.9817477, 1.37444679, 1.76714587, 2.15984495, 2.55254403, 2.94524311], dtype=np.float32)
ETAA = np.array([8.0], dtype=np.float32)
SHFA = np.array([0.9, 1.22857143, 1.55714286, 1.88571429, 2.21428571, 2.54285714, 2.87142857, 3.2], dtype=np.float32)

def quadruple_cart_prod(a, b, c, d):
    # mirrors AngularAEVComputer.quadrupleCartProd ordering: (a,b) cart, then c outer, then d outer
    ab = np.stack(np.meshgrid(a, b, indexing='ij'), -1).reshape(-1, 2)
    cart = np.concatenate([np.tile(ab, (len(c), 1)), np.repeat(c, len(ab))[:, None]], 1)
    cart = np.concatenate([np.tile(cart, (len(d), 1)), np.repeat(d, len(cart))[:, None]], 1)
    return cart.astype(np.float32)

QUAD_NP = quadruple_cart_prod(ZETA, SHFZ, ETAA, SHFA)
QUAD = jnp.asarray(QUAD_NP)
NUM_QUAD = QUAD_NP.shape[0]

# pairs vocabulary (0-based species ids); original uses 1-based, shifted here
PAIRS = []
for i in range(NUM_ELEMENTS):
    for j in range(i, NUM_ELEMENTS):
        PAIRS.append((i, j))
NUM_PAIRS = len(PAIRS)
PAIR_TABLE_NP = np.zeros((NUM_ELEMENTS, NUM_ELEMENTS), dtype=np.int32)
for p, (i, j) in enumerate(PAIRS):
    PAIR_TABLE_NP[i, j] = p
    PAIR_TABLE_NP[j, i] = p

B, N = 16, 48
BOX = 8.0


def setup_inputs(seed: int = 0):
    key = jax.random.key(seed)
    k1, k2 = jax.random.split(key)
    coords = jax.random.uniform(k1, (B, N, 3), minval=0.0, maxval=BOX, dtype=jnp.float32)
    diff = coords[:, :, None, :] - coords[:, None, :, :]
    D = jnp.sqrt(jnp.sum(diff * diff, -1) + 1e-12)
    D = D * (1.0 - jnp.eye(N, dtype=jnp.float32))
    species = jax.random.randint(k2, (B, N), 0, NUM_ELEMENTS, dtype=jnp.int32)
    return {"distance_matrices": D, "num_species_batch": species}


def compute_triplet_indices(D):
    # mirrors computeDistancesTripletsIndices: neighbours inside cutoff, all j<k pairs per center
    Dn = np.asarray(D)
    mask = (Dn < RCA) & (Dn > 0.0)
    bs, cs, js, ks = [], [], [], []
    for b in range(Dn.shape[0]):
        for i in range(Dn.shape[1]):
            nb = np.nonzero(mask[b, i])[0]
            if len(nb) < 2:
                continue
            jj, kk = np.triu_indices(len(nb), k=1)
            bs.append(np.full(jj.shape[0], b, dtype=np.int32))
            cs.append(np.full(jj.shape[0], i, dtype=np.int32))
            js.append(nb[jj].astype(np.int32))
            ks.append(nb[kk].astype(np.int32))
    return (np.concatenate(bs), np.concatenate(cs), np.concatenate(js), np.concatenate(ks))


def f_C(distance, Rc):
    return 0.5 * jnp.cos(math.pi * distance / Rc) + 0.5


def reference(distance_matrices, num_species_batch):
    D = distance_matrices
    n = D.shape[1]
    jj_np, kk_np = np.triu_indices(n, k=1)
    jj = jnp.asarray(jj_np.astype(np.int32))
    kk = jnp.asarray(kk_np.astype(np.int32))
    pair_table = jnp.asarray(PAIR_TABLE_NP)

    def per_batch(Db, spb):
        valid = (Db < RCA) & (Db > 0.0)
        mask = valid[:, jj] & valid[:, kk]
        fmask = mask.astype(jnp.float32)
        R_ij = jnp.where(mask, Db[:, jj], 1.0)
        R_ik = jnp.where(mask, Db[:, kk], 1.0)
        R_jk = jnp.where(mask, Db[jj, kk][None, :], 1.0)
        # carnotTheorem
        cos_alpha = (R_ij ** 2 + R_ik ** 2 - R_jk ** 2) / jnp.clip(2.0 * R_ij * R_ik, 1e-10, np.inf)
        alpha = jnp.arccos(0.95 * cos_alpha)
        # computeGATerms: [Q, T]
        angle = alpha[None, :, :]
        Rij = R_ij[None, :, :]
        Rik = R_ik[None, :, :]
        Zeta = QUAD[:, 0][:, None, None]
        ShfZ = QUAD[:, 1][:, None, None]
        EtaA = QUAD[:, 2][:, None, None]
        ShfA = QUAD[:, 3][:, None, None]
        factor_1 = ((1.0 + jnp.cos(angle - ShfZ)) / 2.0) ** Zeta
        factor_2 = jnp.exp(-EtaA * ((Rij + Rik) / 2.0 - ShfA) ** 2)
        GA = 2.0 * factor_1 * factor_2 * f_C(Rij, RCA) * f_C(Rik, RCA) * fmask[None, :, :]
        # scatter-add into per-atom, per-species-pair angular AEV bins
        pair_idx = pair_table[spb[jj], spb[kk]]
        i_idx = jnp.broadcast_to(jnp.arange(n, dtype=jnp.int32)[:, None], mask.shape)
        p_idx = jnp.broadcast_to(pair_idx[None, :], mask.shape)
        out_b = jnp.zeros((n, NUM_PAIRS, NUM_QUAD), dtype=jnp.float32)
        out_b = out_b.at[i_idx, p_idx].add(jnp.transpose(GA, (1, 2, 0)))
        return out_b

    out = jax.vmap(per_batch)(D, num_species_batch)
    return out.reshape(B, N, NUM_PAIRS * NUM_QUAD)

if __name__ == "__main__":
    import jax
    _d = setup_inputs()
    print(jax.jit(kernel)(*tuple(_d.values())))

</pallas_src>

<mosaic_0001>
module attributes {stable_mosaic.version = 14 : i64} {
  func.func @_body(%arg0: i32, %arg1: i32, %arg2: memref<1x24x1152xf32, #tpu.memory_space<vmem>>, %arg3: memref<1x24x1152xf32, #tpu.memory_space<vmem>>, %arg4: memref<1x1x1152xf32, #tpu.memory_space<vmem>>, %arg5: memref<1x1x1152xi32, #tpu.memory_space<vmem>>, %arg6: memref<1x1x1152xi32, #tpu.memory_space<vmem>>, %arg7: memref<1x1x1152xf32, #tpu.memory_space<vmem>>, %arg8: memref<1x24x80x16xf32, #tpu.memory_space<vmem>>, %arg9: memref<24x80x1152xf32, #tpu.memory_space<vmem>>, %arg10: memref<24x16x1152xf32, #tpu.memory_space<vmem>>) attributes {dimension_semantics = [#tpu.dimension_semantics<arbitrary>, #tpu.dimension_semantics<arbitrary>], iteration_bounds = array<i64: 16, 2>, scalar_prefetch = 0 : i64, scratch_operands = 2 : i64, tpu.core_type = #tpu.core_type<tc>, window_params = [{transform_indices = @transform_0, window_bounds = array<i64: 1, 24, 1152>}, {transform_indices = @transform_1, window_bounds = array<i64: 1, 24, 1152>}, {transform_indices = @transform_2, window_bounds = array<i64: 1, 1, 1152>}, {transform_indices = @transform_3, window_bounds = array<i64: 1, 1, 1152>}, {transform_indices = @transform_4, window_bounds = array<i64: 1, 1, 1152>}, {pipeline_mode = #tpu.pipeline_mode<synchronous>, transform_indices = @transform_5, window_bounds = array<i64: 1, 1, 1152>}, {transform_indices = @transform_6, window_bounds = array<i64: 1, 24, 80, 16>}]} {
    %get3A = arith.constant 0 : index
    %get3A_0 = arith.constant 0 : index
    %get3A_1 = arith.constant 0 : index
    %get3A_2 = vector.load %arg2[%get3A, %get3A_0, %get3A_1] : memref<1x24x1152xf32, #tpu.memory_space<vmem>>, vector<1x24x1152xf32>
    %get3A_3 = vector.shape_cast %get3A_2 : vector<1x24x1152xf32> to vector<24x1152xf32>
    %get3A_4 = arith.constant 0 : index
    %get3A_5 = arith.constant 0 : index
    %get3A_6 = arith.constant 0 : index
    %get3A_7 = vector.load %arg3[%get3A_4, %get3A_5, %get3A_6] : memref<1x24x1152xf32, #tpu.memory_space<vmem>>, vector<1x24x1152xf32>
    %get3A_8 = vector.shape_cast %get3A_7 : vector<1x24x1152xf32> to vector<24x1152xf32>
    %get3A_9 = arith.constant 0 : index
    %get3A_10 = arith.constant 0 : index
    %get3A_11 = arith.constant 0 : index
    %get3A_12 = vector.load %arg4[%get3A_9, %get3A_10, %get3A_11] : memref<1x1x1152xf32, #tpu.memory_space<vmem>>, vector<1x1x1152xf32>
    %get3A_13 = vector.shape_cast %get3A_12 : vector<1x1x1152xf32> to vector<1x1152xf32>
    %get3A_14 = arith.constant 0 : index
    %get3A_15 = arith.constant 0 : index
    %get3A_16 = arith.constant 0 : index
    %get3A_17 = vector.load %arg5[%get3A_14, %get3A_15, %get3A_16] : memref<1x1x1152xi32, #tpu.memory_space<vmem>>, vector<1x1x1152xi32>
    %get3A_18 = vector.shape_cast %get3A_17 : vector<1x1x1152xi32> to vector<1x1152xi32>
    %get3A_19 = arith.constant 0 : index
    %get3A_20 = arith.constant 0 : index
    %get3A_21 = arith.constant 0 : index
    %get3A_22 = vector.load %arg6[%get3A_19, %get3A_20, %get3A_21] : memref<1x1x1152xi32, #tpu.memory_space<vmem>>, vector<1x1x1152xi32>
    %get3A_23 = vector.shape_cast %get3A_22 : vector<1x1x1152xi32> to vector<1x1152xi32>
    %get3A_24 = arith.constant 0 : index
    %get3A_25 = arith.constant 0 : index
    %get3A_26 = arith.constant 0 : index
    %get3A_27 = vector.load %arg7[%get3A_24, %get3A_25, %get3A_26] : memref<1x1x1152xf32, #tpu.memory_space<vmem>>, vector<1x1x1152xf32>
    %get3A_28 = vector.shape_cast %get3A_27 : vector<1x1x1152xf32> to vector<1x1152xf32>
    %lt3A = arith.constant 3.500000e+00 : f32
    %lt3A_29 = vector.broadcast %lt3A : f32 to vector<24x1152xf32>
    %lt3A_30 = arith.cmpf olt, %get3A_3, %lt3A_29 : vector<24x1152xf32>
    %gt3A = arith.constant 0.000000e+00 : f32
    %gt3A_31 = vector.broadcast %gt3A : f32 to vector<24x1152xf32>
    %gt3A_32 = arith.cmpf ogt, %get3A_3, %gt3A_31 : vector<24x1152xf32>
    %and3A = arith.andi %lt3A_30, %gt3A_32 : vector<24x1152xi1>
    %lt3A_33 = arith.constant 3.500000e+00 : f32
    %lt3A_34 = vector.broadcast %lt3A_33 : f32 to vector<24x1152xf32>
    %lt3A_35 = arith.cmpf olt, %get3A_8, %lt3A_34 : vector<24x1152xf32>
    %and3A_36 = arith.andi %and3A, %lt3A_35 : vector<24x1152xi1>
    %gt3A_37 = arith.constant 0.000000e+00 : f32
    %gt3A_38 = vector.broadcast %gt3A_37 : f32 to vector<24x1152xf32>
    %gt3A_39 = arith.cmpf ogt, %get3A_8, %gt3A_38 : vector<24x1152xf32>
    %and3A_40 = arith.andi %and3A_36, %gt3A_39 : vector<24x1152xi1>
    %gt3A_41 = arith.constant 5.000000e-01 : f32
    %gt3A_42 = vector.broadcast %gt3A_41 : f32 to vector<1x1152xf32>
    %gt3A_43 = arith.cmpf ogt, %get3A_28, %gt3A_42 : vector<1x1152xf32>
    %and3A_44 = vector.broadcast %gt3A_43 : vector<1x1152xi1> to vector<24x1152xi1>
    %and3A_45 = arith.andi %and3A_40, %and3A_44 : vector<24x1152xi1>
    %jit3A = arith.constant 1.000000e+00 : f32
    %jit3A_46 = arith.constant 0.000000e+00 : f32
    %broadcast_in_dim3A = vector.broadcast %jit3A : f32 to vector<24x1152xf32>
    %broadcast_in_dim3A_47 = vector.broadcast %jit3A_46 : f32 to vector<24x1152xf32>
    %select_n3A = arith.select %and3A_45, %broadcast_in_dim3A, %broadcast_in_dim3A_47 : vector<24x1152xi1>, vector<24x1152xf32>
    %jit3A_48 = arith.constant 1.000000e+00 : f32
    %broadcast_in_dim3A_49 = vector.broadcast %jit3A_48 : f32 to vector<24x1152xf32>
    %select_n3A_50 = arith.select %and3A_45, %get3A_3, %broadcast_in_dim3A_49 : vector<24x1152xi1>, vector<24x1152xf32>
    %jit3A_51 = arith.constant 1.000000e+00 : f32
    %broadcast_in_dim3A_52 = vector.broadcast %jit3A_51 : f32 to vector<24x1152xf32>
    %select_n3A_53 = arith.select %and3A_45, %get3A_8, %broadcast_in_dim3A_52 : vector<24x1152xi1>, vector<24x1152xf32>
    %broadcast_in_dim3A_54 = vector.shape_cast %get3A_13 : vector<1x1152xf32> to vector<1x1152xf32>
    %broadcast_in_dim3A_55 = vector.broadcast %broadcast_in_dim3A_54 : vector<1x1152xf32> to vector<24x1152xf32>
    %jit3A_56 = arith.constant 1.000000e+00 : f32
    %broadcast_in_dim3A_57 = vector.broadcast %jit3A_56 : f32 to vector<24x1152xf32>
    %select_n3A_58 = arith.select %and3A_45, %broadcast_in_dim3A_55, %broadcast_in_dim3A_57 : vector<24x1152xi1>, vector<24x1152xf32>
    %mul3A = arith.mulf %select_n3A_50, %select_n3A_50 : vector<24x1152xf32>
    %mul3A_59 = arith.mulf %select_n3A_53, %select_n3A_53 : vector<24x1152xf32>
    %add3A = arith.addf %mul3A, %mul3A_59 : vector<24x1152xf32>
    %mul3A_60 = arith.mulf %select_n3A_58, %select_n3A_58 : vector<24x1152xf32>
    %sub3A = arith.subf %add3A, %mul3A_60 : vector<24x1152xf32>
    %mul3A_61 = arith.constant 2.000000e+00 : f32
    %mul3A_62 = vector.broadcast %mul3A_61 : f32 to vector<24x1152xf32>
    %mul3A_63 = arith.mulf %mul3A_62, %select_n3A_50 : vector<24x1152xf32>
    %mul3A_64 = arith.mulf %mul3A_63, %select_n3A_53 : vector<24x1152xf32>
    %max3A = arith.constant 1.000000e-10 : f32
    %max3A_65 = vector.broadcast %max3A : f32 to vector<24x1152xf32>
    %max3A_66 = arith.maximumf %mul3A_64, %max3A_65 : vector<24x1152xf32>
    %div3A = arith.divf %sub3A, %max3A_66 : vector<24x1152xf32>
    %mul3A_67 = arith.constant 0.949999988 : f32
    %mul3A_68 = vector.broadcast %mul3A_67 : f32 to vector<24x1152xf32>
    %mul3A_69 = arith.mulf %mul3A_68, %div3A : vector<24x1152xf32>
    %mul3A_70 = arith.mulf %mul3A_69, %mul3A_69 : vector<24x1152xf32>
    %sub3A_71 = arith.constant 1.000000e+00 : f32
    %sub3A_72 = vector.broadcast %sub3A_71 : f32 to vector<24x1152xf32>
    %sub3A_73 = arith.subf %sub3A_72, %mul3A_70 : vector<24x1152xf32>
    %max3A_74 = arith.constant 0.000000e+00 : f32
    %max3A_75 = vector.broadcast %max3A_74 : f32 to vector<24x1152xf32>
    %max3A_76 = arith.maximumf %sub3A_73, %max3A_75 : vector<24x1152xf32>
    %sqrt3A = math.sqrt %max3A_76 : vector<24x1152xf32>
    %mul3A_77 = arith.constant 0.897597908 : f32
    %mul3A_78 = vector.broadcast %mul3A_77 : f32 to vector<24x1152xf32>
    %mul3A_79 = arith.mulf %mul3A_78, %select_n3A_50 : vector<24x1152xf32>
    %cos3A = math.cos %mul3A_79 : vector<24x1152xf32>
    %mul3A_80 = arith.constant 5.000000e-01 : f32
    %mul3A_81 = vector.broadcast %mul3A_80 : f32 to vector<24x1152xf32>
    %mul3A_82 = arith.mulf %mul3A_81, %cos3A : vector<24x1152xf32>
    %add3A_83 = arith.constant 5.000000e-01 : f32
    %add3A_84 = vector.broadcast %add3A_83 : f32 to vector<24x1152xf32>
    %add3A_85 = arith.addf %mul3A_82, %add3A_84 : vector<24x1152xf32>
    %mul3A_86 = arith.constant 2.000000e+00 : f32
    %mul3A_87 = vector.broadcast %mul3A_86 : f32 to vector<24x1152xf32>
    %mul3A_88 = arith.mulf %mul3A_87, %add3A_85 : vector<24x1152xf32>
    %mul3A_89 = arith.constant 0.897597908 : f32
    %mul3A_90 = vector.broadcast %mul3A_89 : f32 to vector<24x1152xf32>
    %mul3A_91 = arith.mulf %mul3A_90, %select_n3A_53 : vector<24x1152xf32>
    %cos3A_92 = math.cos %mul3A_91 : vector<24x1152xf32>
    %mul3A_93 = arith.constant 5.000000e-01 : f32
    %mul3A_94 = vector.broadcast %mul3A_93 : f32 to vector<24x1152xf32>
    %mul3A_95 = arith.mulf %mul3A_94, %cos3A_92 : vector<24x1152xf32>
    %add3A_96 = arith.constant 5.000000e-01 : f32
    %add3A_97 = vector.broadcast %add3A_96 : f32 to vector<24x1152xf32>
    %add3A_98 = arith.addf %mul3A_95, %add3A_97 : vector<24x1152xf32>
    %mul3A_99 = arith.mulf %mul3A_88, %add3A_98 : vector<24x1152xf32>
    %mul3A_100 = arith.mulf %mul3A_99, %select_n3A : vector<24x1152xf32>
    %add3A_101 = arith.addf %select_n3A_50, %select_n3A_53 : vector<24x1152xf32>
    %mul3A_102 = arith.constant 5.000000e-01 : f32
    %mul3A_103 = vector.broadcast %mul3A_102 : f32 to vector<24x1152xf32>
    %mul3A_104 = arith.mulf %mul3A_103, %add3A_101 : vector<24x1152xf32>
    %min3A = arith.minsi %get3A_18, %get3A_23 : vector<1x1152xi32>
    %max3A_105 = arith.maxsi %get3A_18, %get3A_23 : vector<1x1152xi32>
    %mul3A_106 = arith.constant 3 : i32
    %mul3A_107 = vector.broadcast %mul3A_106 : i32 to vector<1x1152xi32>
    %mul3A_108 = arith.muli %min3A, %mul3A_107 : vector<1x1152xi32>
    %sub3A_109 = arith.constant 1 : i32
    %sub3A_110 = vector.broadcast %sub3A_109 : i32 to vector<1x1152xi32>
    %sub3A_111 = arith.subi %min3A, %sub3A_110 : vector<1x1152xi32>
    %mul3A_112 = arith.muli %min3A, %sub3A_111 : vector<1x1152xi32>
    %shift_right_logical3A = arith.constant 1 : i32
    %shift_right_logical3A_113 = vector.broadcast %shift_right_logical3A : i32 to vector<1x1152xi32>
    %shift_right_logical3A_114 = arith.shrui %mul3A_112, %shift_right_logical3A_113 : vector<1x1152xi32>
    %sub3A_115 = arith.subi %mul3A_108, %shift_right_logical3A_114 : vector<1x1152xi32>
    %add3A_116 = arith.addi %sub3A_115, %max3A_105 : vector<1x1152xi32>
    %sub3A_117 = arith.constant 0.899999976 : f32
    %sub3A_118 = vector.broadcast %sub3A_117 : f32 to vector<24x1152xf32>
    %sub3A_119 = arith.subf %mul3A_104, %sub3A_118 : vector<24x1152xf32>
    %mul3A_120 = arith.mulf %sub3A_119, %sub3A_119 : vector<24x1152xf32>
    %mul3A_121 = arith.constant -8.000000e+00 : f32
    %mul3A_122 = vector.broadcast %mul3A_121 : f32 to vector<24x1152xf32>
    %mul3A_123 = arith.mulf %mul3A_122, %mul3A_120 : vector<24x1152xf32>
    %exp3A = math.exp %mul3A_123 : vector<24x1152xf32>
    %mul3A_124 = arith.mulf %mul3A_100, %exp3A : vector<24x1152xf32>
    %sub3A_125 = arith.constant 1.22857141 : f32
    %sub3A_126 = vector.broadcast %sub3A_125 : f32 to vector<24x1152xf32>
    %sub3A_127 = arith.subf %mul3A_104, %sub3A_126 : vector<24x1152xf32>
    %mul3A_128 = arith.mulf %sub3A_127, %sub3A_127 : vector<24x1152xf32>
    %mul3A_129 = arith.constant -8.000000e+00 : f32
    %mul3A_130 = vector.broadcast %mul3A_129 : f32 to vector<24x1152xf32>
    %mul3A_131 = arith.mulf %mul3A_130, %mul3A_128 : vector<24x1152xf32>
    %exp3A_132 = math.exp %mul3A_131 : vector<24x1152xf32>
    %mul3A_133 = arith.mulf %mul3A_100, %exp3A_132 : vector<24x1152xf32>
    %sub3A_134 = arith.constant 1.55714285 : f32
    %sub3A_135 = vector.broadcast %sub3A_134 : f32 to vector<24x1152xf32>
    %sub3A_136 = arith.subf %mul3A_104, %sub3A_135 : vector<24x1152xf32>
    %mul3A_137 = arith.mulf %sub3A_136, %sub3A_136 : vector<24x1152xf32>
    %mul3A_138 = arith.constant -8.000000e+00 : f32
    %mul3A_139 = vector.broadcast %mul3A_138 : f32 to vector<24x1152xf32>
    %mul3A_140 = arith.mulf %mul3A_139, %mul3A_137 : vector<24x1152xf32>
    %exp3A_141 = math.exp %mul3A_140 : vector<24x1152xf32>
    %mul3A_142 = arith.mulf %mul3A_100, %exp3A_141 : vector<24x1152xf32>
    %sub3A_143 = arith.constant 1.88571429 : f32
    %sub3A_144 = vector.broadcast %sub3A_143 : f32 to vector<24x1152xf32>
    %sub3A_145 = arith.subf %mul3A_104, %sub3A_144 : vector<24x1152xf32>
    %mul3A_146 = arith.mulf %sub3A_145, %sub3A_145 : vector<24x1152xf32>
    %mul3A_147 = arith.constant -8.000000e+00 : f32
    %mul3A_148 = vector.broadcast %mul3A_147 : f32 to vector<24x1152xf32>
    %mul3A_149 = arith.mulf %mul3A_148, %mul3A_146 : vector<24x1152xf32>
    %exp3A_150 = math.exp %mul3A_149 : vector<24x1152xf32>
    %mul3A_151 = arith.mulf %mul3A_100, %exp3A_150 : vector<24x1152xf32>
    %sub3A_152 = arith.constant 2.21428561 : f32
    %sub3A_153 = vector.broadcast %sub3A_152 : f32 to vector<24x1152xf32>
    %sub3A_154 = arith.subf %mul3A_104, %sub3A_153 : vector<24x1152xf32>
    %mul3A_155 = arith.mulf %sub3A_154, %sub3A_154 : vector<24x1152xf32>
    %mul3A_156 = arith.constant -8.000000e+00 : f32
    %mul3A_157 = vector.broadcast %mul3A_156 : f32 to vector<24x1152xf32>
    %mul3A_158 = arith.mulf %mul3A_157, %mul3A_155 : vector<24x1152xf32>
    %exp3A_159 = math.exp %mul3A_158 : vector<24x1152xf32>
    %mul3A_160 = arith.mulf %mul3A_100, %exp3A_159 : vector<24x1152xf32>
    %sub3A_161 = arith.constant 2.54285717 : f32
    %sub3A_162 = vector.broadcast %sub3A_161 : f32 to vector<24x1152xf32>
    %sub3A_163 = arith.subf %mul3A_104, %sub3A_162 : vector<24x1152xf32>
    %mul3A_164 = arith.mulf %sub3A_163, %sub3A_163 : vector<24x1152xf32>
    %mul3A_165 = arith.constant -8.000000e+00 : f32
    %mul3A_166 = vector.broadcast %mul3A_165 : f32 to vector<24x1152xf32>
    %mul3A_167 = arith.mulf %mul3A_166, %mul3A_164 : vector<24x1152xf32>
    %exp3A_168 = math.exp %mul3A_167 : vector<24x1152xf32>
    %mul3A_169 = arith.mulf %mul3A_100, %exp3A_168 : vector<24x1152xf32>
    %sub3A_170 = arith.constant 2.87142849 : f32
    %sub3A_171 = vector.broadcast %sub3A_170 : f32 to vector<24x1152xf32>
    %sub3A_172 = arith.subf %mul3A_104, %sub3A_171 : vector<24x1152xf32>
    %mul3A_173 = arith.mulf %sub3A_172, %sub3A_172 : vector<24x1152xf32>
    %mul3A_174 = arith.constant -8.000000e+00 : f32
    %mul3A_175 = vector.broadcast %mul3A_174 : f32 to vector<24x1152xf32>
    %mul3A_176 = arith.mulf %mul3A_175, %mul3A_173 : vector<24x1152xf32>
    %exp3A_177 = math.exp %mul3A_176 : vector<24x1152xf32>
    %mul3A_178 = arith.mulf %mul3A_100, %exp3A_177 : vector<24x1152xf32>
    %sub3A_179 = arith.constant 3.200000e+00 : f32
    %sub3A_180 = vector.broadcast %sub3A_179 : f32 to vector<24x1152xf32>
    %sub3A_181 = arith.subf %mul3A_104, %sub3A_180 : vector<24x1152xf32>
    %mul3A_182 = arith.mulf %sub3A_181, %sub3A_181 : vector<24x1152xf32>
    %mul3A_183 = arith.constant -8.000000e+00 : f32
    %mul3A_184 = vector.broadcast %mul3A_183 : f32 to vector<24x1152xf32>
    %mul3A_185 = arith.mulf %mul3A_184, %mul3A_182 : vector<24x1152xf32>
    %exp3A_186 = math.exp %mul3A_185 : vector<24x1152xf32>
    %mul3A_187 = arith.mulf %mul3A_100, %exp3A_186 : vector<24x1152xf32>
    %eq3A = arith.constant 0 : i32
    %eq3A_188 = vector.broadcast %eq3A : i32 to vector<1x1152xi32>
    %eq3A_189 = arith.cmpi eq, %add3A_116, %eq3A_188 : vector<1x1152xi32>
    %jit3A_190 = arith.constant 0.000000e+00 : f32
    %broadcast_in_dim3A_191 = vector.shape_cast %eq3A_189 : vector<1x1152xi1> to vector<1x1152xi1>
    %broadcast_in_dim3A_192 = vector.broadcast %broadcast_in_dim3A_191 : vector<1x1152xi1> to vector<24x1152xi1>
    %broadcast_in_dim3A_193 = vector.broadcast %jit3A_190 : f32 to vector<24x1152xf32>
    %select_n3A_194 = arith.select %broadcast_in_dim3A_192, %mul3A_124, %broadcast_in_dim3A_193 : vector<24x1152xi1>, vector<24x1152xf32>
    %swap3A = arith.constant 0 : index
    %swap3A_195 = arith.constant 0 : index
    %swap3A_196 = arith.constant 0 : index
    %swap3A_197 = vector.load %arg9[%swap3A, %swap3A_195, %swap3A_196] : memref<24x80x1152xf32, #tpu.memory_space<vmem>>, vector<24x1x1152xf32>
    %swap3A_198 = vector.shape_cast %swap3A_197 : vector<24x1x1152xf32> to vector<24x1152xf32>
    %swap3A_199 = vector.shape_cast %select_n3A_194 : vector<24x1152xf32> to vector<24x1x1152xf32>
    tpu.vector_store %arg9[%swap3A, %swap3A_195, %swap3A_196], %swap3A_199 {strides = array<i32>} : memref<24x80x1152xf32, #tpu.memory_space<vmem>>, vector<24x1x1152xf32>,
    %jit3A_200 = arith.constant 0.000000e+00 : f32
    %broadcast_in_dim3A_201 = vector.shape_cast %eq3A_189 : vector<1x1152xi1> to vector<1x1152xi1>
    %broadcast_in_dim3A_202 = vector.broadcast %broadcast_in_dim3A_201 : vector<1x1152xi1> to vector<24x1152xi1>
    %broadcast_in_dim3A_203 = vector.broadcast %jit3A_200 : f32 to vector<24x1152xf32>
    %select_n3A_204 = arith.select %broadcast_in_dim3A_202, %mul3A_133, %broadcast_in_dim3A_203 : vector<24x1152xi1>, vector<24x1152xf32>
    %swap3A_205 = arith.constant 0 : index
    %swap3A_206 = arith.constant 1 : index
    %swap3A_207 = arith.constant 0 : index
    %swap3A_208 = vector.load %arg9[%swap3A_205, %swap3A_206, %swap3A_207] : memref<24x80x1152xf32, #tpu.memory_space<vmem>>, vector<24x1x1152xf32>
    %swap3A_209 = vector.shape_cast %swap3A_208 : vector<24x1x1152xf32> to vector<24x1152xf32>
    %swap3A_210 = vector.shape_cast %select_n3A_204 : vector<24x1152xf32> to vector<24x1x1152xf32>
    tpu.vector_store %arg9[%swap3A_205, %swap3A_206, %swap3A_207], %swap3A_210 {strides = array<i32>} : memref<24x80x1152xf32, #tpu.memory_space<vmem>>, vector<24x1x1152xf32>,
    %jit3A_211 = arith.constant 0.000000e+00 : f32
    %broadcast_in_dim3A_212 = vector.shape_cast %eq3A_189 : vector<1x1152xi1> to vector<1x1152xi1>
    %broadcast_in_dim3A_213 = vector.broadcast %broadcast_in_dim3A_212 : vector<1x1152xi1> to vector<24x1152xi1>
    %broadcast_in_dim3A_214 = vector.broadcast %jit3A_211 : f32 to vector<24x1152xf32>
    %select_n3A_215 = arith.select %broadcast_in_dim3A_213, %mul3A_142, %broadcast_in_dim3A_214 : vector<24x1152xi1>, vector<24x1152xf32>
    %swap3A_216 = arith.constant 0 : index
    %swap3A_217 = arith.constant 2 : index
    %swap3A_218 = arith.constant 0 : index
    %swap3A_219 = vector.load %arg9[%swap3A_216, %swap3A_217, %swap3A_218] : memref<24x80x1152xf32, #tpu.memory_space<vmem>>, vector<24x1x1152xf32>
    %swap3A_220 = vector.shape_cast %swap3A_219 : vector<24x1x1152xf32> to vector<24x1152xf32>
    %swap3A_221 = vector.shape_cast %select_n3A_215 : vector<24x1152xf32> to vector<24x1x1152xf32>
    tpu.vector_store %arg9[%swap3A_216, %swap3A_217, %swap3A_218], %swap3A_221 {strides = array<i32>} : memref<24x80x1152xf32, #tpu.memory_space<vmem>>, vector<24x1x1152xf32>,
    %jit3A_222 = arith.constant 0.000000e+00 : f32
    %broadcast_in_dim3A_223 = vector.shape_cast %eq3A_189 : vector<1x1152xi1> to vector<1x1152xi1>
    %broadcast_in_dim3A_224 = vector.broadcast %broadcast_in_dim3A_223 : vector<1x1152xi1> to vector<24x1152xi1>
    %broadcast_in_dim3A_225 = vector.broadcast %jit3A_222 : f32 to vector<24x1152xf32>
    %select_n3A_226 = arith.select %broadcast_in_dim3A_224, %mul3A_151, %broadcast_in_dim3A_225 : vector<24x1152xi1>, vector<24x1152xf32>
    %swap3A_227 = arith.constant 0 : index
    %swap3A_228 = arith.constant 3 : index
    %swap3A_229 = arith.constant 0 : index
    %swap3A_230 = vector.load %arg9[%swap3A_227, %swap3A_228, %swap3A_229] : memref<24x80x1152xf32, #tpu.memory_space<vmem>>, vector<24x1x1152xf32>
    %swap3A_231 = vector.shape_cast %swap3A_230 : vector<24x1x1152xf32> to vector<24x1152xf32>
    %swap3A_232 = vector.shape_cast %select_n3A_226 : vector<24x1152xf32> to vector<24x1x1152xf32>
    tpu.vector_store %arg9[%swap3A_227, %swap3A_228, %swap3A_229], %swap3A_232 {strides = array<i32>} : memref<24x80x1152xf32, #tpu.memory_space<vmem>>, vector<24x1x1152xf32>,
    %jit3A_233 = arith.constant 0.000000e+00 : f32
    %broadcast_in_dim3A_234 = vector.shape_cast %eq3A_189 : vector<1x1152xi1> to vector<1x1152xi1>
    %broadcast_in_dim3A_235 = vector.broadcast %broadcast_in_dim3A_234 : vector<1x1152xi1> to vector<24x1152xi1>
    %broadcast_in_dim3A_236 = vector.broadcast %jit3A_233 : f32 to vector<24x1152xf32>
    %select_n3A_237 = arith.select %broadcast_in_dim3A_235, %mul3A_160, %broadcast_in_dim3A_236 : vector<24x1152xi1>, vector<24x1152xf32>
    %swap3A_238 = arith.constant 0 : index
    %swap3A_239 = arith.constant 4 : index
    %swap3A_240 = arith.constant 0 : index
    %swap3A_241 = vector.load %arg9[%swap3A_238, %swap3A_239, %swap3A_240] : memref<24x80x1152xf32, #tpu.memory_space<vmem>>, vector<24x1x1152xf32>
    %swap3A_242 = vector.shape_cast %swap3A_241 : vector<24x1x1152xf32> to vector<24x1152xf32>
    %swap3A_243 = vector.shape_cast %select_n3A_237 : vector<24x1152xf32> to vector<24x1x1152xf32>
    tpu.vector_store %arg9[%swap3A_238, %swap3A_239, %swap3A_240], %swap3A_243 {strides = array<i32>} : memref<24x80x1152xf32, #tpu.memory_space<vmem>>, vector<24x1x1152xf32>,
    %jit3A_244 = arith.constant 0.000000e+00 : f32
    %broadcast_in_dim3A_245 = vector.shape_cast %eq3A_189 : vector<1x1152xi1> to vector<1x1152xi1>
    %broadcast_in_dim3A_246 = vector.broadcast %broadcast_in_dim3A_245 : vector<1x1152xi1> to vector<24x1152xi1>
    %broadcast_in_dim3A_247 = vector.broadcast %jit3A_244 : f32 to vector<24x1152xf32>
    %select_n3A_248 = arith.select %broadcast_in_dim3A_246, %mul3A_169, %broadcast_in_dim3A_247 : vector<24x1152xi1>, vector<24x1152xf32>
    %swap3A_249 = arith.constant 0 : index
    %swap3A_250 = arith.constant 5 : index
    %swap3A_251 = arith.constant 0 : index
    %swap3A_252 = vector.load %arg9[%swap3A_249, %swap3A_250, %swap3A_251] : memref<24x80x1152xf32, #tpu.memory_space<vmem>>, vector<24x1x1152xf32>
    %swap3A_253 = vector.shape_cast %swap3A_252 : vector<24x1x1152xf32> to vector<24x1152xf32>
    %swap3A_254 = vector.shape_cast %select_n3A_248 : vector<24x1152xf32> to vector<24x1x1152xf32>
    tpu.vector_store %arg9[%swap3A_249, %swap3A_250, %swap3A_251], %swap3A_254 {strides = array<i32>} : memref<24x80x1152xf32, #tpu.memory_space<vmem>>, vector<24x1x1152xf32>,
    %jit3A_255 = arith.constant 0.000000e+00 : f32
    %broadcast_in_dim3A_256 = vector.shape_cast %eq3A_189 : vector<1x1152xi1> to vector<1x1152xi1>
    %broadcast_in_dim3A_257 = vector.broadcast %broadcast_in_dim3A_256 : vector<1x1152xi1> to vector<24x1152xi1>
    %broadcast_in_dim3A_258 = vector.broadcast %jit3A_255 : f32 to vector<24x1152xf32>
    %select_n3A_259 = arith.select %broadcast_in_dim3A_257, %mul3A_178, %broadcast_in_dim3A_258 : vector<24x1152xi1>, vector<24x1152xf32>
    %swap3A_260 = arith.constant 0 : index
    %swap3A_261 = arith.constant 6 : index
    %swap3A_262 = arith.constant 0 : index
    %swap3A_263 = vector.load %arg9[%swap3A_260, %swap3A_261, %swap3A_262] : memref<24x80x1152xf32, #tpu.memory_space<vmem>>, vector<24x1x1152xf32>
    %swap3A_264 = vector.shape_cast %swap3A_263 : vector<24x1x1152xf32> to vector<24x1152xf32>
    %swap3A_265 = vector.shape_cast %select_n3A_259 : vector<24x1152xf32> to vector<24x1x1152xf32>
    tpu.vector_store %arg9[%swap3A_260, %swap3A_261, %swap3A_262], %swap3A_265 {strides = array<i32>} : memref<24x80x1152xf32, #tpu.memory_space<vmem>>, vector<24x1x1152xf32>,
    %jit3A_266 = arith.constant 0.000000e+00 : f32
    %broadcast_in_dim3A_267 = vector.shape_cast %eq3A_189 : vector<1x1152xi1> to vector<1x1152xi1>
    %broadcast_in_dim3A_268 = vector.broadcast %broadcast_in_dim3A_267 : vector<1x1152xi1> to vector<24x1152xi1>
    %broadcast_in_dim3A_269 = vector.broadcast %jit3A_266 : f32 to vector<24x1152xf32>
    %select_n3A_270 = arith.select %broadcast_in_dim3A_268, %mul3A_187, %broadcast_in_dim3A_269 : vector<24x1152xi1>, vector<24x1152xf32>
    %swap3A_271 = arith.constant 0 : index
    %swap3A_272 = arith.constant 7 : index
    %swap3A_273 = arith.constant 0 : index
    %swap3A_274 = vector.load %arg9[%swap3A_271, %swap3A_272, %swap3A_273] : memref<24x80x1152xf32, #tpu.memory_space<vmem>>, vector<24x1x1152xf32>
    %swap3A_275 = vector.shape_cast %swap3A_274 : vector<24x1x1152xf32> to vector<24x1152xf32>
    %swap3A_276 = vector.shape_cast %select_n3A_270 : vector<24x1152xf32> to vector<24x1x1152xf32>
    tpu.vector_store %arg9[%swap3A_271, %swap3A_272, %swap3A_273], %swap3A_276 {strides = array<i32>} : memref<24x80x1152xf32, #tpu.memory_space<vmem>>, vector<24x1x1152xf32>,
    %eq3A_277 = arith.constant 1 : i32
    %eq3A_278 = vector.broadcast %eq3A_277 : i32 to vector<1x1152xi32>
    %eq3A_279 = arith.cmpi eq, %add3A_116, %eq3A_278 : vector<1x1152xi32>
    %jit3A_280 = arith.constant 0.000000e+00 : f32
    %broadcast_in_dim3A_281 = vector.shape_cast %eq3A_279 : vector<1x1152xi1> to vector<1x1152xi1>
    %broadcast_in_dim3A_282 = vector.broadcast %broadcast_in_dim3A_281 : vector<1x1152xi1> to vector<24x1152xi1>
    %broadcast_in_dim3A_283 = vector.broadcast %jit3A_280 : f32 to vector<24x1152xf32>
    %select_n3A_284 = arith.select %broadcast_in_dim3A_282, %mul3A_124, %broadcast_in_dim3A_283 : vector<24x1152xi1>, vector<24x1152xf32>
    %swap3A_285 = arith.constant 0 : index
    %swap3A_286 = arith.constant 8 : index
    %swap3A_287 = arith.constant 0 : index
    %swap3A_288 = vector.load %arg9[%swap3A_285, %swap3A_286, %swap3A_287] : memref<24x80x1152xf32, #tpu.memory_space<vmem>>, vector<24x1x1152xf32>
    %swap3A_289 = vector.shape_cast %swap3A_288 : vector<24x1x1152xf32> to vector<24x1152xf32>
    %swap3A_290 = vector.shape_cast %select_n3A_284 : vector<24x1152xf32> to vector<24x1x1152xf32>
    tpu.vector_store %arg9[%swap3A_285, %swap3A_286, %swap3A_287], %swap3A_290 {strides = array<i32>} : memref<24x80x1152xf32, #tpu.memory_space<vmem>>, vector<24x1x1152xf32>,
    %jit3A_291 = arith.constant 0.000000e+00 : f32
    %broadcast_in_dim3A_292 = vector.shape_cast %eq3A_279 : vector<1x1152xi1> to vector<1x1152xi1>
    %broadcast_in_dim3A_293 = vector.broadcast %broadcast_in_dim3A_292 : vector<1x1152xi1> to vector<24x1152xi1>
    %broadcast_in_dim3A_294 = vector.broadcast %jit3A_291 : f32 to vector<24x1152xf32>
    %select_n3A_295 = arith.select %broadcast_in_dim3A_293, %mul3A_133, %broadcast_in_dim3A_294 : vector<24x1152xi1>, vector<24x1152xf32>
    %swap3A_296 = arith.constant 0 : index
    %swap3A_297 = arith.constant 9 : index
    %swap3A_298 = arith.constant 0 : index
    %swap3A_299 = vector.load %arg9[%swap3A_296, %swap3A_297, %swap3A_298] : memref<24x80x1152xf32, #tpu.memory_space<vmem>>, vector<24x1x1152xf32>
    %swap3A_300 = vector.shape_cast %swap3A_299 : vector<24x1x1152xf32> to vector<24x1152xf32>
    %swap3A_301 = vector.shape_cast %select_n3A_295 : vector<24x1152xf32> to vector<24x1x1152xf32>
    tpu.vector_store %arg9[%swap3A_296, %swap3A_297, %swap3A_298], %swap3A_301 {strides = array<i32>} : memref<24x80x1152xf32, #tpu.memory_space<vmem>>, vector<24x1x1152xf32>,
    %jit3A_302 = arith.constant 0.000000e+00 : f32
    %broadcast_in_dim3A_303 = vector.shape_cast %eq3A_279 : vector<1x1152xi1> to vector<1x1152xi1>
    %broadcast_in_dim3A_304 = vector.broadcast %broadcast_in_dim3A_303 : vector<1x1152xi1> to vector<24x1152xi1>
    %broadcast_in_dim3A_305 = vector.broadcast %jit3A_302 : f32 to vector<24x1152xf32>
    %select_n3A_306 = arith.select %broadcast_in_dim3A_304, %mul3A_142, %broadcast_in_dim3A_305 : vector<24x1152xi1>, vector<24x1152xf32>
    %swap3A_307 = arith.constant 0 : index
    %swap3A_308 = arith.constant 10 : index
    %swap3A_309 = arith.constant 0 : index
    %swap3A_310 = vector.load %arg9[%swap3A_307, %swap3A_308, %swap3A_309] : memref<24x80x1152xf32, #tpu.memory_space<vmem>>, vector<24x1x1152xf32>
    %swap3A_311 = vector.shape_cast %swap3A_310 : vector<24x1x1152xf32> to vector<24x1152xf32>
    %swap3A_312 = vector.shape_cast %select_n3A_306 : vector<24x1152xf32> to vector<24x1x1152xf32>
    tpu.vector_store %arg9[%swap3A_307, %swap3A_308, %swap3A_309], %swap3A_312 {strides = array<i32>} : memref<24x80x1152xf32, #tpu.memory_space<vmem>>, vector<24x1x1152xf32>,
    %jit3A_313 = arith.constant 0.000000e+00 : f32
    %broadcast_in_dim3A_314 = vector.shape_cast %eq3A_279 : vector<1x1152xi1> to vector<1x1152xi1>
    %broadcast_in_dim3A_315 = vector.broadcast %broadcast_in_dim3A_314 : vector<1x1152xi1> to vector<24x1152xi1>
    %broadcast_in_dim3A_316 = vector.broadcast %jit3A_313 : f32 to vector<24x1152xf32>
    %select_n3A_317 = arith.select %broadcast_in_dim3A_315, %mul3A_151, %broadcast_in_dim3A_316 : vector<24x1152xi1>, vector<24x1152xf32>
    %swap3A_318 = arith.constant 0 : index
    %swap3A_319 = arith.constant 11 : index
    %swap3A_320 = arith.constant 0 : index
    %swap3A_321 = vector.load %arg9[%swap3A_318, %swap3A_319, %swap3A_320] : memref<24x80x1152xf32, #tpu.memory_space<vmem>>, vector<24x1x1152xf32>
    %swap3A_322 = vector.shape_cast %swap3A_321 : vector<24x1x1152xf32> to vector<24x1152xf32>
    %swap3A_323 = vector.shape_cast %select_n3A_317 : vector<24x1152xf32> to vector<24x1x1152xf32>
    tpu.vector_store %arg9[%swap3A_318, %swap3A_319, %swap3A_320], %swap3A_323 {strides = array<i32>} : memref<24x80x1152xf32, #tpu.memory_space<vmem>>, vector<24x1x1152xf32>,
    %jit3A_324 = arith.constant 0.000000e+00 : f32
    %broadcast_in_dim3A_325 = vector.shape_cast %eq3A_279 : vector<1x1152xi1> to vector<1x1152xi1>
    %broadcast_in_dim3A_326 = vector.broadcast %broadcast_in_dim3A_325 : vector<1x1152xi1> to vector<24x1152xi1>
    %broadcast_in_dim3A_327 = vector.broadcast %jit3A_324 : f32 to vector<24x1152xf32>
    %select_n3A_328 = arith.select %broadcast_in_dim3A_326, %mul3A_160, %broadcast_in_dim3A_327 : vector<24x1152xi1>, vector<24x1152xf32>
    %swap3A_329 = arith.constant 0 : index
    %swap3A_330 = arith.constant 12 : index
    %swap3A_331 = arith.constant 0 : index
    %swap3A_332 = vector.load %arg9[%swap3A_329, %swap3A_330, %swap3A_331] : memref<24x80x1152xf32, #tpu.memory_space<vmem>>, vector<24x1x1152xf32>
    %swap3A_333 = vector.shape_cast %swap3A_332 : vector<24x1x1152xf32> to vector<24x1152xf32>
    %swap3A_334 = vector.shape_cast %select_n3A_328 : vector<24x1152xf32> to vector<24x1x1152xf32>
    tpu.vector_store %arg9[%swap3A_329, %swap3A_330, %swap3A_331], %swap3A_334 {strides = array<i32>} : memref<24x80x1152xf32, #tpu.memory_space<vmem>>, vector<24x1x1152xf32>,
    %jit3A_335 = arith.constant 0.000000e+00 : f32
    %broadcast_in_dim3A_336 = vector.shape_cast %eq3A_279 : vector<1x1152xi1> to vector<1x1152xi1>
    %broadcast_in_dim3A_337 = vector.broadcast %broadcast_in_dim3A_336 : vector<1x1152xi1> to vector<24x1152xi1>
    %broadcast_in_dim3A_338 = vector.broadcast %jit3A_335 : f32 to vector<24x1152xf32>
    %select_n3A_339 = arith.select %broadcast_in_dim3A_337, %mul3A_169, %broadcast_in_dim3A_338 : vector<24x1152xi1>, vector<24x1152xf32>
    %swap3A_340 = arith.constant 0 : index
    %swap3A_341 = arith.constant 13 : index
    %swap3A_342 = arith.constant 0 : index
    %swap3A_343 = vector.load %arg9[%swap3A_340, %swap3A_341, %swap3A_342] : memref<24x80x1152xf32, #tpu.memory_space<vmem>>, vector<24x1x1152xf32>
    %swap3A_344 = vector.shape_cast %swap3A_343 : vector<24x1x1152xf32> to vector<24x1152xf32>
    %swap3A_345 = vector.shape_cast %select_n3A_339 : vector<24x1152xf32> to vector<24x1x1152xf32>
    tpu.vector_store %arg9[%swap3A_340, %swap3A_341, %swap3A_342], %swap3A_345 {strides = array<i32>} : memref<24x80x1152xf32, #tpu.memory_space<vmem>>, vector<24x1x1152xf32>,
    %jit3A_346 = arith.constant 0.000000e+00 : f32
    %broadcast_in_dim3A_347 = vector.shape_cast %eq3A_279 : vector<1x1152xi1> to vector<1x1152xi1>
    %broadcast_in_dim3A_348 = vector.broadcast %broadcast_in_dim3A_347 : vector<1x1152xi1> to vector<24x1152xi1>
    %broadcast_in_dim3A_349 = vector.broadcast %jit3A_346 : f32 to vector<24x1152xf32>
    %select_n3A_350 = arith.select %broadcast_in_dim3A_348, %mul3A_178, %broadcast_in_dim3A_349 : vector<24x1152xi1>, vector<24x1152xf32>
    %swap3A_351 = arith.constant 0 : index
    %swap3A_352 = arith.constant 14 : index
    %swap3A_353 = arith.constant 0 : index
    %swap3A_354 = vector.load %arg9[%swap3A_351, %swap3A_352, %swap3A_353] : memref<24x80x1152xf32, #tpu.memory_space<vmem>>, vector<24x1x1152xf32>
    %swap3A_355 = vector.shape_cast %swap3A_354 : vector<24x1x1152xf32> to vector<24x1152xf32>
    %swap3A_356 = vector.shape_cast %select_n3A_350 : vector<24x1152xf32> to vector<24x1x1152xf32>
    tpu.vector_store %arg9[%swap3A_351, %swap3A_352, %swap3A_353], %swap3A_356 {strides = array<i32>} : memref<24x80x1152xf32, #tpu.memory_space<vmem>>, vector<24x1x1152xf32>,
    %jit3A_357 = arith.constant 0.000000e+00 : f32
    %broadcast_in_dim3A_358 = vector.shape_cast %eq3A_279 : vector<1x1152xi1> to vector<1x1152xi1>
    %broadcast_in_dim3A_359 = vector.broadcast %broadcast_in_dim3A_358 : vector<1x1152xi1> to vector<24x1152xi1>
    %broadcast_in_dim3A_360 = vector.broadcast %jit3A_357 : f32 to vector<24x1152xf32>
    %select_n3A_361 = arith.select %broadcast_in_dim3A_359, %mul3A_187, %broadcast_in_dim3A_360 : vector<24x1152xi1>, vector<24x1152xf32>
    %swap3A_362 = arith.constant 0 : index
    %swap3A_363 = arith.constant 15 : index
    %swap3A_364 = arith.constant 0 : index
    %swap3A_365 = vector.load %arg9[%swap3A_362, %swap3A_363, %swap3A_364] : memref<24x80x1152xf32, #tpu.memory_space<vmem>>, vector<24x1x1152xf32>
    %swap3A_366 = vector.shape_cast %swap3A_365 : vector<24x1x1152xf32> to vector<24x1152xf32>
    %swap3A_367 = vector.shape_cast %select_n3A_361 : vector<24x1152xf32> to vector<24x1x1152xf32>
    tpu.vector_store %arg9[%swap3A_362, %swap3A_363, %swap3A_364], %swap3A_367 {strides = array<i32>} : memref<24x80x1152xf32, #tpu.memory_space<vmem>>, vector<24x1x1152xf32>,
    %eq3A_368 = arith.constant 2 : i32
    %eq3A_369 = vector.broadcast %eq3A_368 : i32 to vector<1x1152xi32>
    %eq3A_370 = arith.cmpi eq, %add3A_116, %eq3A_369 : vector<1x1152xi32>
    %jit3A_371 = arith.constant 0.000000e+00 : f32
    %broadcast_in_dim3A_372 = vector.shape_cast %eq3A_370 : vector<1x1152xi1> to vector<1x1152xi1>
    %broadcast_in_dim3A_373 = vector.broadcast %broadcast_in_dim3A_372 : vector<1x1152xi1> to vector<24x1152xi1>
    %broadcast_in_dim3A_374 = vector.broadcast %jit3A_371 : f32 to vector<24x1152xf32>
    %select_n3A_375 = arith.select %broadcast_in_dim3A_373, %mul3A_124, %broadcast_in_dim3A_374 : vector<24x1152xi1>, vector<24x1152xf32>
    %swap3A_376 = arith.constant 0 : index
    %swap3A_377 = arith.constant 16 : index
    %swap3A_378 = arith.constant 0 : index
    %swap3A_379 = vector.load %arg9[%swap3A_376, %swap3A_377, %swap3A_378] : memref<24x80x1152xf32, #tpu.memory_space<vmem>>, vector<24x1x1152xf32>
    %swap3A_380 = vector.shape_cast %swap3A_379 : vector<24x1x1152xf32> to vector<24x1152xf32>
    %swap3A_381 = vector.shape_cast %select_n3A_375 : vector<24x1152xf32> to vector<24x1x1152xf32>
    tpu.vector_store %arg9[%swap3A_376, %swap3A_377, %swap3A_378], %swap3A_381 {strides = array<i32>} : memref<24x80x1152xf32, #tpu.memory_space<vmem>>, vector<24x1x1152xf32>,
    %jit3A_382 = arith.constant 0.000000e+00 : f32
    %broadcast_in_dim3A_383 = vector.shape_cast %eq3A_370 : vector<1x1152xi1> to vector<1x1152xi1>
    %broadcast_in_dim3A_384 = vector.broadcast %broadcast_in_dim3A_383 : vector<1x1152xi1> to vector<24x1152xi1>
    %broadcast_in_dim3A_385 = vector.broadcast %jit3A_382 : f32 to vector<24x1152xf32>
    %select_n3A_386 = arith.select %broadcast_in_dim3A_384, %mul3A_133, %broadcast_in_dim3A_385 : vector<24x1152xi1>, vector<24x1152xf32>
    %swap3A_387 = arith.constant 0 : index
    %swap3A_388 = arith.constant 17 : index
    %swap3A_389 = arith.constant 0 : index
    %swap3A_390 = vector.load %arg9[%swap3A_387, %swap3A_388, %swap3A_389] : memref<24x80x1152xf32, #tpu.memory_space<vmem>>, vector<24x1x1152xf32>
    %swap3A_391 = vector.shape_cast %swap3A_390 : vector<24x1x1152xf32> to vector<24x1152xf32>
    %swap3A_392 = vector.shape_cast %select_n3A_386 : vector<24x1152xf32> to vector<24x1x1152xf32>
    tpu.vector_store %arg9[%swap3A_387, %swap3A_388, %swap3A_389], %swap3A_392 {strides = array<i32>} : memref<24x80x1152xf32, #tpu.memory_space<vmem>>, vector<24x1x1152xf32>,
    %jit3A_393 = arith.constant 0.000000e+00 : f32
    %broadcast_in_dim3A_394 = vector.shape_cast %eq3A_370 : vector<1x1152xi1> to vector<1x1152xi1>
    %broadcast_in_dim3A_395 = vector.broadcast %broadcast_in_dim3A_394 : vector<1x1152xi1> to vector<24x1152xi1>
    %broadcast_in_dim3A_396 = vector.broadcast %jit3A_393 : f32 to vector<24x1152xf32>
    %select_n3A_397 = arith.select %broadcast_in_dim3A_395, %mul3A_142, %broadcast_in_dim3A_396 : vector<24x1152xi1>, vector<24x1152xf32>
    %swap3A_398 = arith.constant 0 : index
    %swap3A_399 = arith.constant 18 : index
    %swap3A_400 = arith.constant 0 : index
    %swap3A_401 = vector.load %arg9[%swap3A_398, %swap3A_399, %swap3A_400] : memref<24x80x1152xf32, #tpu.memory_space<vmem>>, vector<24x1x1152xf32>
    %swap3A_402 = vector.shape_cast %swap3A_401 : vector<24x1x1152xf32> to vector<24x1152xf32>
    %swap3A_403 = vector.shape_cast %select_n3A_397 : vector<24x1152xf32> to vector<24x1x1152xf32>
    tpu.vector_store %arg9[%swap3A_398, %swap3A_399, %swap3A_400], %swap3A_403 {strides = array<i32>} : memref<24x80x1152xf32, #tpu.memory_space<vmem>>, vector<24x1x1152xf32>,
    %jit3A_404 = arith.constant 0.000000e+00 : f32
    %broadcast_in_dim3A_405 = vector.shape_cast %eq3A_370 : vector<1x1152xi1> to vector<1x1152xi1>
    %broadcast_in_dim3A_406 = vector.broadcast %broadcast_in_dim3A_405 : vector<1x1152xi1> to vector<24x1152xi1>
    %broadcast_in_dim3A_407 = vector.broadcast %jit3A_404 : f32 to vector<24x1152xf32>
    %select_n3A_408 = arith.select %broadcast_in_dim3A_406, %mul3A_151, %broadcast_in_dim3A_407 : vector<24x1152xi1>, vector<24x1152xf32>
    %swap3A_409 = arith.constant 0 : index
    %swap3A_410 = arith.constant 19 : index
    %swap3A_411 = arith.constant 0 : index
    %swap3A_412 = vector.load %arg9[%swap3A_409, %swap3A_410, %swap3A_411] : memref<24x80x1152xf32, #tpu.memory_space<vmem>>, vector<24x1x1152xf32>
    %swap3A_413 = vector.shape_cast %swap3A_412 : vector<24x1x1152xf32> to vector<24x1152xf32>
    %swap3A_414 = vector.shape_cast %select_n3A_408 : vector<24x1152xf32> to vector<24x1x1152xf32>
    tpu.vector_store %arg9[%swap3A_409, %swap3A_410, %swap3A_411], %swap3A_414 {strides = array<i32>} : memref<24x80x1152xf32, #tpu.memory_space<vmem>>, vector<24x1x1152xf32>,
    %jit3A_415 = arith.constant 0.000000e+00 : f32
    %broadcast_in_dim3A_416 = vector.shape_cast %eq3A_370 : vector<1x1152xi1> to vector<1x1152xi1>
    %broadcast_in_dim3A_417 = vector.broadcast %broadcast_in_dim3A_416 : vector<1x1152xi1> to vector<24x1152xi1>
    %broadcast_in_dim3A_418 = vector.broadcast %jit3A_415 : f32 to vector<24x1152xf32>
    %select_n3A_419 = arith.select %broadcast_in_dim3A_417, %mul3A_160, %broadcast_in_dim3A_418 : vector<24x1152xi1>, vector<24x1152xf32>
    %swap3A_420 = arith.constant 0 : index
    %swap3A_421 = arith.constant 20 : index
    %swap3A_422 = arith.constant 0 : index
    %swap3A_423 = vector.load %arg9[%swap3A_420, %swap3A_421, %swap3A_422] : memref<24x80x1152xf32, #tpu.memory_space<vmem>>, vector<24x1x1152xf32>
    %swap3A_424 = vector.shape_cast %swap3A_423 : vector<24x1x1152xf32> to vector<24x1152xf32>
    %swap3A_425 = vector.shape_cast %select_n3A_419 : vector<24x1152xf32> to vector<24x1x1152xf32>
    tpu.vector_store %arg9[%swap3A_420, %swap3A_421, %swap3A_422], %swap3A_425 {strides = array<i32>} : memref<24x80x1152xf32, #tpu.memory_space<vmem>>, vector<24x1x1152xf32>,
    %jit3A_426 = arith.constant 0.000000e+00 : f32
    %broadcast_in_dim3A_427 = vector.shape_cast %eq3A_370 : vector<1x1152xi1> to vector<1x1152xi1>
    %broadcast_in_dim3A_428 = vector.broadcast %broadcast_in_dim3A_427 : vector<1x1152xi1> to vector<24x1152xi1>
    %broadcast_in_dim3A_429 = vector.broadcast %jit3A_426 : f32 to vector<24x1152xf32>
    %select_n3A_430 = arith.select %broadcast_in_dim3A_428, %mul3A_169, %broadcast_in_dim3A_429 : vector<24x1152xi1>, vector<24x1152xf32>
    %swap3A_431 = arith.constant 0 : index
    %swap3A_432 = arith.constant 21 : index
    %swap3A_433 = arith.constant 0 : index
    %swap3A_434 = vector.load %arg9[%swap3A_431, %swap3A_432, %swap3A_433] : memref<24x80x1152xf32, #tpu.memory_space<vmem>>, vector<24x1x1152xf32>
    %swap3A_435 = vector.shape_cast %swap3A_434 : vector<24x1x1152xf32> to vector<24x1152xf32>
    %swap3A_436 = vector.shape_cast %select_n3A_430 : vector<24x1152xf32> to vector<24x1x1152xf32>
    tpu.vector_store %arg9[%swap3A_431, %swap3A_432, %swap3A_433], %swap3A_436 {strides = array<i32>} : memref<24x80x1152xf32, #tpu.memory_space<vmem>>, vector<24x1x1152xf32>,
    %jit3A_437 = arith.constant 0.000000e+00 : f32
    %broadcast_in_dim3A_438 = vector.shape_cast %eq3A_370 : vector<1x1152xi1> to vector<1x1152xi1>
    %broadcast_in_dim3A_439 = vector.broadcast %broadcast_in_dim3A_438 : vector<1x1152xi1> to vector<24x1152xi1>
    %broadcast_in_dim3A_440 = vector.broadcast %jit3A_437 : f32 to vector<24x1152xf32>
    %select_n3A_441 = arith.select %broadcast_in_dim3A_439, %mul3A_178, %broadcast_in_dim3A_440 : vector<24x1152xi1>, vector<24x1152xf32>
    %swap3A_442 = arith.constant 0 : index
    %swap3A_443 = arith.constant 22 : index
    %swap3A_444 = arith.constant 0 : index
    %swap3A_445 = vector.load %arg9[%swap3A_442, %swap3A_443, %swap3A_444] : memref<24x80x1152xf32, #tpu.memory_space<vmem>>, vector<24x1x1152xf32>
    %swap3A_446 = vector.shape_cast %swap3A_445 : vector<24x1x1152xf32> to vector<24x1152xf32>
    %swap3A_447 = vector.shape_cast %select_n3A_441 : vector<24x1152xf32> to vector<24x1x1152xf32>
    tpu.vector_store %arg9[%swap3A_442, %swap3A_443, %swap3A_444], %swap3A_447 {strides = array<i32>} : memref<24x80x1152xf32, #tpu.memory_space<vmem>>, vector<24x1x1152xf32>,
    %jit3A_448 = arith.constant 0.000000e+00 : f32
    %broadcast_in_dim3A_449 = vector.shape_cast %eq3A_370 : vector<1x1152xi1> to vector<1x1152xi1>
    %broadcast_in_dim3A_450 = vector.broadcast %broadcast_in_dim3A_449 : vector<1x1152xi1> to vector<24x1152xi1>
    %broadcast_in_dim3A_451 = vector.broadcast %jit3A_448 : f32 to vector<24x1152xf32>
    %select_n3A_452 = arith.select %broadcast_in_dim3A_450, %mul3A_187, %broadcast_in_dim3A_451 : vector<24x1152xi1>, vector<24x1152xf32>
    %swap3A_453 = arith.constant 0 : index
    %swap3A_454 = arith.constant 23 : index
    %swap3A_455 = arith.constant 0 : index
    %swap3A_456 = vector.load %arg9[%swap3A_453, %swap3A_454, %swap3A_455] : memref<24x80x1152xf32, #tpu.memory_space<vmem>>, vector<24x1x1152xf32>
    %swap3A_457 = vector.shape_cast %swap3A_456 : vector<24x1x1152xf32> to vector<24x1152xf32>
    %swap3A_458 = vector.shape_cast %select_n3A_452 : vector<24x1152xf32> to vector<24x1x1152xf32>
    tpu.vector_store %arg9[%swap3A_453, %swap3A_454, %swap3A_455], %swap3A_458 {strides = array<i32>} : memref<24x80x1152xf32, #tpu.memory_space<vmem>>, vector<24x1x1152xf32>,
    %eq3A_459 = arith.constant 3 : i32
    %eq3A_460 = vector.broadcast %eq3A_459 : i32 to vector<1x1152xi32>
    %eq3A_461 = arith.cmpi eq, %add3A_116, %eq3A_460 : vector<1x1152xi32>
    %jit3A_462 = arith.constant 0.000000e+00 : f32
    %broadcast_in_dim3A_463 = vector.shape_cast %eq3A_461 : vector<1x1152xi1> to vector<1x1152xi1>
    %broadcast_in_dim3A_464 = vector.broadcast %broadcast_in_dim3A_463 : vector<1x1152xi1> to vector<24x1152xi1>
    %broadcast_in_dim3A_465 = vector.broadcast %jit3A_462 : f32 to vector<24x1152xf32>
    %select_n3A_466 = arith.select %broadcast_in_dim3A_464, %mul3A_124, %broadcast_in_dim3A_465 : vector<24x1152xi1>, vector<24x1152xf32>
    %swap3A_467 = arith.constant 0 : index
    %swap3A_468 = arith.constant 24 : index
    %swap3A_469 = arith.constant 0 : index
    %swap3A_470 = vector.load %arg9[%swap3A_467, %swap3A_468, %swap3A_469] : memref<24x80x1152xf32, #tpu.memory_space<vmem>>, vector<24x1x1152xf32>
    %swap3A_471 = vector.shape_cast %swap3A_470 : vector<24x1x1152xf32> to vector<24x1152xf32>
    %swap3A_472 = vector.shape_cast %select_n3A_466 : vector<24x1152xf32> to vector<24x1x1152xf32>
    tpu.vector_store %arg9[%swap3A_467, %swap3A_468, %swap3A_469], %swap3A_472 {strides = array<i32>} : memref<24x80x1152xf32, #tpu.memory_space<vmem>>, vector<24x1x1152xf32>,
    %jit3A_473 = arith.constant 0.000000e+00 : f32
    %broadcast_in_dim3A_474 = vector.shape_cast %eq3A_461 : vector<1x1152xi1> to vector<1x1152xi1>
    %broadcast_in_dim3A_475 = vector.broadcast %broadcast_in_dim3A_474 : vector<1x1152xi1> to vector<24x1152xi1>
    %broadcast_in_dim3A_476 = vector.broadcast %jit3A_473 : f32 to vector<24x1152xf32>
    %select_n3A_477 = arith.select %broadcast_in_dim3A_475, %mul3A_133, %broadcast_in_dim3A_476 : vector<24x1152xi1>, vector<24x1152xf32>
    %swap3A_478 = arith.constant 0 : index
    %swap3A_479 = arith.constant 25 : index
    %swap3A_480 = arith.constant 0 : index
    %swap3A_481 = vector.load %arg9[%swap3A_478, %swap3A_479, %swap3A_480] : memref<24x80x1152xf32, #tpu.memory_space<vmem>>, vector<24x1x1152xf32>
    %swap3A_482 = vector.shape_cast %swap3A_481 : vector<24x1x1152xf32> to vector<24x1152xf32>
    %swap3A_483 = vector.shape_cast %select_n3A_477 : vector<24x1152xf32> to vector<24x1x1152xf32>
    tpu.vector_store %arg9[%swap3A_478, %swap3A_479, %swap3A_480], %swap3A_483 {strides = array<i32>} : memref<24x80x1152xf32, #tpu.memory_space<vmem>>, vector<24x1x1152xf32>,
    %jit3A_484 = arith.constant 0.000000e+00 : f32
    %broadcast_in_dim3A_485 = vector.shape_cast %eq3A_461 : vector<1x1152xi1> to vector<1x1152xi1>
    %broadcast_in_dim3A_486 = vector.broadcast %broadcast_in_dim3A_485 : vector<1x1152xi1> to vector<24x1152xi1>
    %broadcast_in_dim3A_487 = vector.broadcast %jit3A_484 : f32 to vector<24x1152xf32>
    %select_n3A_488 = arith.select %broadcast_in_dim3A_486, %mul3A_142, %broadcast_in_dim3A_487 : vector<24x1152xi1>, vector<24x1152xf32>
    %swap3A_489 = arith.constant 0 : index
    %swap3A_490 = arith.constant 26 : index
    %swap3A_491 = arith.constant 0 : index
    %swap3A_492 = vector.load %arg9[%swap3A_489, %swap3A_490, %swap3A_491] : memref<24x80x1152xf32, #tpu.memory_space<vmem>>, vector<24x1x1152xf32>
    %swap3A_493 = vector.shape_cast %swap3A_492 : vector<24x1x1152xf32> to vector<24x1152xf32>
    %swap3A_494 = vector.shape_cast %select_n3A_488 : vector<24x1152xf32> to vector<24x1x1152xf32>
    tpu.vector_store %arg9[%swap3A_489, %swap3A_490, %swap3A_491], %swap3A_494 {strides = array<i32>} : memref<24x80x1152xf32, #tpu.memory_space<vmem>>, vector<24x1x1152xf32>,
    %jit3A_495 = arith.constant 0.000000e+00 : f32
    %broadcast_in_dim3A_496 = vector.shape_cast %eq3A_461 : vector<1x1152xi1> to vector<1x1152xi1>
    %broadcast_in_dim3A_497 = vector.broadcast %broadcast_in_dim3A_496 : vector<1x1152xi1> to vector<24x1152xi1>
    %broadcast_in_dim3A_498 = vector.broadcast %jit3A_495 : f32 to vector<24x1152xf32>
    %select_n3A_499 = arith.select %broadcast_in_dim3A_497, %mul3A_151, %broadcast_in_dim3A_498 : vector<24x1152xi1>, vector<24x1152xf32>
    %swap3A_500 = arith.constant 0 : index
    %swap3A_501 = arith.constant 27 : index
    %swap3A_502 = arith.constant 0 : index
    %swap3A_503 = vector.load %arg9[%swap3A_500, %swap3A_501, %swap3A_502] : memref<24x80x1152xf32, #tpu.memory_space<vmem>>, vector<24x1x1152xf32>
    %swap3A_504 = vector.shape_cast %swap3A_503 : vector<24x1x1152xf32> to vector<24x1152xf32>
    %swap3A_505 = vector.shape_cast %select_n3A_499 : vector<24x1152xf32> to vector<24x1x1152xf32>
    tpu.vector_store %arg9[%swap3A_500, %swap3A_501, %swap3A_502], %swap3A_505 {strides = array<i32>} : memref<24x80x1152xf32, #tpu.memory_space<vmem>>, vector<24x1x1152xf32>,
    %jit3A_506 = arith.constant 0.000000e+00 : f32
    %broadcast_in_dim3A_507 = vector.shape_cast %eq3A_461 : vector<1x1152xi1> to vector<1x1152xi1>
    %broadcast_in_dim3A_508 = vector.broadcast %broadcast_in_dim3A_507 : vector<1x1152xi1> to vector<24x1152xi1>
    %broadcast_in_dim3A_509 = vector.broadcast %jit3A_506 : f32 to vector<24x1152xf32>
    %select_n3A_510 = arith.select %broadcast_in_dim3A_508, %mul3A_160, %broadcast_in_dim3A_509 : vector<24x1152xi1>, vector<24x1152xf32>
    %swap3A_511 = arith.constant 0 : index
    %swap3A_512 = arith.constant 28 : index
    %swap3A_513 = arith.constant 0 : index
    %swap3A_514 = vector.load %arg9[%swap3A_511, %swap3A_512, %swap3A_513] : memref<24x80x1152xf32, #tpu.memory_space<vmem>>, vector<24x1x1152xf32>
    %swap3A_515 = vector.shape_cast %swap3A_514 : vector<24x1x1152xf32> to vector<24x1152xf32>
    %swap3A_516 = vector.shape_cast %select_n3A_510 : vector<24x1152xf32> to vector<24x1x1152xf32>
    tpu.vector_store %arg9[%swap3A_511, %swap3A_512, %swap3A_513], %swap3A_516 {strides = array<i32>} : memref<24x80x1152xf32, #tpu.memory_space<vmem>>, vector<24x1x1152xf32>,
    %jit3A_517 = arith.constant 0.000000e+00 : f32
    %broadcast_in_dim3A_518 = vector.shape_cast %eq3A_461 : vector<1x1152xi1> to vector<1x1152xi1>
    %broadcast_in_dim3A_519 = vector.broadcast %broadcast_in_dim3A_518 : vector<1x1152xi1> to vector<24x1152xi1>
    %broadcast_in_dim3A_520 = vector.broadcast %jit3A_517 : f32 to vector<24x1152xf32>
    %select_n3A_521 = arith.select %broadcast_in_dim3A_519, %mul3A_169, %broadcast_in_dim3A_520 : vector<24x1152xi1>, vector<24x1152xf32>
    %swap3A_522 = arith.constant 0 : index
    %swap3A_523 = arith.constant 29 : index
    %swap3A_524 = arith.constant 0 : index
    %swap3A_525 = vector.load %arg9[%swap3A_522, %swap3A_523, %swap3A_524] : memref<24x80x1152xf32, #tpu.memory_space<vmem>>, vector<24x1x1152xf32>
    %swap3A_526 = vector.shape_cast %swap3A_525 : vector<24x1x1152xf32> to vector<24x1152xf32>
    %swap3A_527 = vector.shape_cast %select_n3A_521 : vector<24x1152xf32> to vector<24x1x1152xf32>
    tpu.vector_store %arg9[%swap3A_522, %swap3A_523, %swap3A_524], %swap3A_527 {strides = array<i32>} : memref<24x80x1152xf32, #tpu.memory_space<vmem>>, vector<24x1x1152xf32>,
    %jit3A_528 = arith.constant 0.000000e+00 : f32
    %broadcast_in_dim3A_529 = vector.shape_cast %eq3A_461 : vector<1x1152xi1> to vector<1x1152xi1>
    %broadcast_in_dim3A_530 = vector.broadcast %broadcast_in_dim3A_529 : vector<1x1152xi1> to vector<24x1152xi1>
    %broadcast_in_dim3A_531 = vector.broadcast %jit3A_528 : f32 to vector<24x1152xf32>
    %select_n3A_532 = arith.select %broadcast_in_dim3A_530, %mul3A_178, %broadcast_in_dim3A_531 : vector<24x1152xi1>, vector<24x1152xf32>
    %swap3A_533 = arith.constant 0 : index
    %swap3A_534 = arith.constant 30 : index
    %swap3A_535 = arith.constant 0 : index
    %swap3A_536 = vector.load %arg9[%swap3A_533, %swap3A_534, %swap3A_535] : memref<24x80x1152xf32, #tpu.memory_space<vmem>>, vector<24x1x1152xf32>
    %swap3A_537 = vector.shape_cast %swap3A_536 : vector<24x1x1152xf32> to vector<24x1152xf32>
    %swap3A_538 = vector.shape_cast %select_n3A_532 : vector<24x1152xf32> to vector<24x1x1152xf32>
    tpu.vector_store %arg9[%swap3A_533, %swap3A_534, %swap3A_535], %swap3A_538 {strides = array<i32>} : memref<24x80x1152xf32, #tpu.memory_space<vmem>>, vector<24x1x1152xf32>,
    %jit3A_539 = arith.constant 0.000000e+00 : f32
    %broadcast_in_dim3A_540 = vector.shape_cast %eq3A_461 : vector<1x1152xi1> to vector<1x1152xi1>
    %broadcast_in_dim3A_541 = vector.broadcast %broadcast_in_dim3A_540 : vector<1x1152xi1> to vector<24x1152xi1>
    %broadcast_in_dim3A_542 = vector.broadcast %jit3A_539 : f32 to vector<24x1152xf32>
    %select_n3A_543 = arith.select %broadcast_in_dim3A_541, %mul3A_187, %broadcast_in_dim3A_542 : vector<24x1152xi1>, vector<24x1152xf32>
    %swap3A_544 = arith.constant 0 : index
    %swap3A_545 = arith.constant 31 : index
    %swap3A_546 = arith.constant 0 : index
    %swap3A_547 = vector.load %arg9[%swap3A_544, %swap3A_545, %swap3A_546] : memref<24x80x1152xf32, #tpu.memory_space<vmem>>, vector<24x1x1152xf32>
    %swap3A_548 = vector.shape_cast %swap3A_547 : vector<24x1x1152xf32> to vector<24x1152xf32>
    %swap3A_549 = vector.shape_cast %select_n3A_543 : vector<24x1152xf32> to vector<24x1x1152xf32>
    tpu.vector_store %arg9[%swap3A_544, %swap3A_545, %swap3A_546], %swap3A_549 {strides = array<i32>} : memref<24x80x1152xf32, #tpu.memory_space<vmem>>, vector<24x1x1152xf32>,
    %eq3A_550 = arith.constant 4 : i32
    %eq3A_551 = vector.broadcast %eq3A_550 : i32 to vector<1x1152xi32>
    %eq3A_552 = arith.cmpi eq, %add3A_116, %eq3A_551 : vector<1x1152xi32>
    %jit3A_553 = arith.constant 0.000000e+00 : f32
    %broadcast_in_dim3A_554 = vector.shape_cast %eq3A_552 : vector<1x1152xi1> to vector<1x1152xi1>
    %broadcast_in_dim3A_555 = vector.broadcast %broadcast_in_dim3A_554 : vector<1x1152xi1> to vector<24x1152xi1>
    %broadcast_in_dim3A_556 = vector.broadcast %jit3A_553 : f32 to vector<24x1152xf32>
    %select_n3A_557 = arith.select %broadcast_in_dim3A_555, %mul3A_124, %broadcast_in_dim3A_556 : vector<24x1152xi1>, vector<24x1152xf32>
    %swap3A_558 = arith.constant 0 : index
    %swap3A_559 = arith.constant 32 : index
    %swap3A_560 = arith.constant 0 : index
    %swap3A_561 = vector.load %arg9[%swap3A_558, %swap3A_559, %swap3A_560] : memref<24x80x1152xf32, #tpu.memory_space<vmem>>, vector<24x1x1152xf32>
    %swap3A_562 = vector.shape_cast %swap3A_561 : vector<24x1x1152xf32> to vector<24x1152xf32>
    %swap3A_563 = vector.shape_cast %select_n3A_557 : vector<24x1152xf32> to vector<24x1x1152xf32>
    tpu.vector_store %arg9[%swap3A_558, %swap3A_559, %swap3A_560], %swap3A_563 {strides = array<i32>} : memref<24x80x1152xf32, #tpu.memory_space<vmem>>, vector<24x1x1152xf32>,
    %jit3A_564 = arith.constant 0.000000e+00 : f32
    %broadcast_in_dim3A_565 = vector.shape_cast %eq3A_552 : vector<1x1152xi1> to vector<1x1152xi1>
    %broadcast_in_dim3A_566 = vector.broadcast %broadcast_in_dim3A_565 : vector<1x1152xi1> to vector<24x1152xi1>
    %broadcast_in_dim3A_567 = vector.broadcast %jit3A_564 : f32 to vector<24x1152xf32>
    %select_n3A_568 = arith.select %broadcast_in_dim3A_566, %mul3A_133, %broadcast_in_dim3A_567 : vector<24x1152xi1>, vector<24x1152xf32>
    %swap3A_569 = arith.constant 0 : index
    %swap3A_570 = arith.constant 33 : index
    %swap3A_571 = arith.constant 0 : index
    %swap3A_572 = vector.load %arg9[%swap3A_569, %swap3A_570, %swap3A_571] : memref<24x80x1152xf32, #tpu.memory_space<vmem>>, vector<24x1x1152xf32>
    %swap3A_573 = vector.shape_cast %swap3A_572 : vector<24x1x1152xf32> to vector<24x1152xf32>
    %swap3A_574 = vector.shape_cast %select_n3A_568 : vector<24x1152xf32> to vector<24x1x1152xf32>
    tpu.vector_store %arg9[%swap3A_569, %swap3A_570, %swap3A_571], %swap3A_574 {strides = array<i32>} : memref<24x80x1152xf32, #tpu.memory_space<vmem>>, vector<24x1x1152xf32>,
    %jit3A_575 = arith.constant 0.000000e+00 : f32
    %broadcast_in_dim3A_576 = vector.shape_cast %eq3A_552 : vector<1x1152xi1> to vector<1x1152xi1>
    %broadcast_in_dim3A_577 = vector.broadcast %broadcast_in_dim3A_576 : vector<1x1152xi1> to vector<24x1152xi1>
    %broadcast_in_dim3A_578 = vector.broadcast %jit3A_575 : f32 to vector<24x1152xf32>
    %select_n3A_579 = arith.select %broadcast_in_dim3A_577, %mul3A_142, %broadcast_in_dim3A_578 : vector<24x1152xi1>, vector<24x1152xf32>
    %swap3A_580 = arith.constant 0 : index
    %swap3A_581 = arith.constant 34 : index
    %swap3A_582 = arith.constant 0 : index
    %swap3A_583 = vector.load %arg9[%swap3A_580, %swap3A_581, %swap3A_582] : memref<24x80x1152xf32, #tpu.memory_space<vmem>>, vector<24x1x1152xf32>
    %swap3A_584 = vector.shape_cast %swap3A_583 : vector<24x1x1152xf32> to vector<24x1152xf32>
    %swap3A_585 = vector.shape_cast %select_n3A_579 : vector<24x1152xf32> to vector<24x1x1152xf32>
    tpu.vector_store %arg9[%swap3A_580, %swap3A_581, %swap3A_582], %swap3A_585 {strides = array<i32>} : memref<24x80x1152xf32, #tpu.memory_space<vmem>>, vector<24x1x1152xf32>,
    %jit3A_586 = arith.constant 0.000000e+00 : f32
    %broadcast_in_dim3A_587 = vector.shape_cast %eq3A_552 : vector<1x1152xi1> to vector<1x1152xi1>
    %broadcast_in_dim3A_588 = vector.broadcast %broadcast_in_dim3A_587 : vector<1x1152xi1> to vector<24x1152xi1>
    %broadcast_in_dim3A_589 = vector.broadcast %jit3A_586 : f32 to vector<24x1152xf32>
    %select_n3A_590 = arith.select %broadcast_in_dim3A_588, %mul3A_151, %broadcast_in_dim3A_589 : vector<24x1152xi1>, vector<24x1152xf32>
    %swap3A_591 = arith.constant 0 : index
    %swap3A_592 = arith.constant 35 : index
    %swap3A_593 = arith.constant 0 : index
    %swap3A_594 = vector.load %arg9[%swap3A_591, %swap3A_592, %swap3A_593] : memref<24x80x1152xf32, #tpu.memory_space<vmem>>, vector<24x1x1152xf32>
    %swap3A_595 = vector.shape_cast %swap3A_594 : vector<24x1x1152xf32> to vector<24x1152xf32>
    %swap3A_596 = vector.shape_cast %select_n3A_590 : vector<24x1152xf32> to vector<24x1x1152xf32>
    tpu.vector_store %arg9[%swap3A_591, %swap3A_592, %swap3A_593], %swap3A_596 {strides = array<i32>} : memref<24x80x1152xf32, #tpu.memory_space<vmem>>, vector<24x1x1152xf32>,
    %jit3A_597 = arith.constant 0.000000e+00 : f32
    %broadcast_in_dim3A_598 = vector.shape_cast %eq3A_552 : vector<1x1152xi1> to vector<1x1152xi1>
    %broadcast_in_dim3A_599 = vector.broadcast %broadcast_in_dim3A_598 : vector<1x1152xi1> to vector<24x1152xi1>
    %broadcast_in_dim3A_600 = vector.broadcast %jit3A_597 : f32 to vector<24x1152xf32>
    %select_n3A_601 = arith.select %broadcast_in_dim3A_599, %mul3A_160, %broadcast_in_dim3A_600 : vector<24x1152xi1>, vector<24x1152xf32>
    %swap3A_602 = arith.constant 0 : index
    %swap3A_603 = arith.constant 36 : index
    %swap3A_604 = arith.constant 0 : index
    %swap3A_605 = vector.load %arg9[%swap3A_602, %swap3A_603, %swap3A_604] : memref<24x80x1152xf32, #tpu.memory_space<vmem>>, vector<24x1x1152xf32>
    %swap3A_606 = vector.shape_cast %swap3A_605 : vector<24x1x1152xf32> to vector<24x1152xf32>
    %swap3A_607 = vector.shape_cast %select_n3A_601 : vector<24x1152xf32> to vector<24x1x1152xf32>
    tpu.vector_store %arg9[%swap3A_602, %swap3A_603, %swap3A_604], %swap3A_607 {strides = array<i32>} : memref<24x80x1152xf32, #tpu.memory_space<vmem>>, vector<24x1x1152xf32>,
    %jit3A_608 = arith.constant 0.000000e+00 : f32
    %broadcast_in_dim3A_609 = vector.shape_cast %eq3A_552 : vector<1x1152xi1> to vector<1x1152xi1>
    %broadcast_in_dim3A_610 = vector.broadcast %broadcast_in_dim3A_609 : vector<1x1152xi1> to vector<24x1152xi1>
    %broadcast_in_dim3A_611 = vector.broadcast %jit3A_608 : f32 to vector<24x1152xf32>
    %select_n3A_612 = arith.select %broadcast_in_dim3A_610, %mul3A_169, %broadcast_in_dim3A_611 : vector<24x1152xi1>, vector<24x1152xf32>
    %swap3A_613 = arith.constant 0 : index
    %swap3A_614 = arith.constant 37 : index
    %swap3A_615 = arith.constant 0 : index
    %swap3A_616 = vector.load %arg9[%swap3A_613, %swap3A_614, %swap3A_615] : memref<24x80x1152xf32, #tpu.memory_space<vmem>>, vector<24x1x1152xf32>
    %swap3A_617 = vector.shape_cast %swap3A_616 : vector<24x1x1152xf32> to vector<24x1152xf32>
    %swap3A_618 = vector.shape_cast %select_n3A_612 : vector<24x1152xf32> to vector<24x1x1152xf32>
    tpu.vector_store %arg9[%swap3A_613, %swap3A_614, %swap3A_615], %swap3A_618 {strides = array<i32>} : memref<24x80x1152xf32, #tpu.memory_space<vmem>>, vector<24x1x1152xf32>,
    %jit3A_619 = arith.constant 0.000000e+00 : f32
    %broadcast_in_dim3A_620 = vector.shape_cast %eq3A_552 : vector<1x1152xi1> to vector<1x1152xi1>
    %broadcast_in_dim3A_621 = vector.broadcast %broadcast_in_dim3A_620 : vector<1x1152xi1> to vector<24x1152xi1>
    %broadcast_in_dim3A_622 = vector.broadcast %jit3A_619 : f32 to vector<24x1152xf32>
    %select_n3A_623 = arith.select %broadcast_in_dim3A_621, %mul3A_178, %broadcast_in_dim3A_622 : vector<24x1152xi1>, vector<24x1152xf32>
    %swap3A_624 = arith.constant 0 : index
    %swap3A_625 = arith.constant 38 : index
    %swap3A_626 = arith.constant 0 : index
    %swap3A_627 = vector.load %arg9[%swap3A_624, %swap3A_625, %swap3A_626] : memref<24x80x1152xf32, #tpu.memory_space<vmem>>, vector<24x1x1152xf32>
    %swap3A_628 = vector.shape_cast %swap3A_627 : vector<24x1x1152xf32> to vector<24x1152xf32>
    %swap3A_629 = vector.shape_cast %select_n3A_623 : vector<24x1152xf32> to vector<24x1x1152xf32>
    tpu.vector_store %arg9[%swap3A_624, %swap3A_625, %swap3A_626], %swap3A_629 {strides = array<i32>} : memref<24x80x1152xf32, #tpu.memory_space<vmem>>, vector<24x1x1152xf32>,
    %jit3A_630 = arith.constant 0.000000e+00 : f32
    %broadcast_in_dim3A_631 = vector.shape_cast %eq3A_552 : vector<1x1152xi1> to vector<1x1152xi1>
    %broadcast_in_dim3A_632 = vector.broadcast %broadcast_in_dim3A_631 : vector<1x1152xi1> to vector<24x1152xi1>
    %broadcast_in_dim3A_633 = vector.broadcast %jit3A_630 : f32 to vector<24x1152xf32>
    %select_n3A_634 = arith.select %broadcast_in_dim3A_632, %mul3A_187, %broadcast_in_dim3A_633 : vector<24x1152xi1>, vector<24x1152xf32>
    %swap3A_635 = arith.constant 0 : index
    %swap3A_636 = arith.constant 39 : index
    %swap3A_637 = arith.constant 0 : index
    %swap3A_638 = vector.load %arg9[%swap3A_635, %swap3A_636, %swap3A_637] : memref<24x80x1152xf32, #tpu.memory_space<vmem>>, vector<24x1x1152xf32>
    %swap3A_639 = vector.shape_cast %swap3A_638 : vector<24x1x1152xf32> to vector<24x1152xf32>
    %swap3A_640 = vector.shape_cast %select_n3A_634 : vector<24x1152xf32> to vector<24x1x1152xf32>
    tpu.vector_store %arg9[%swap3A_635, %swap3A_636, %swap3A_637], %swap3A_640 {strides = array<i32>} : memref<24x80x1152xf32, #tpu.memory_space<vmem>>, vector<24x1x1152xf32>,
    %eq3A_641 = arith.constant 5 : i32
    %eq3A_642 = vector.broadcast %eq3A_641 : i32 to vector<1x1152xi32>
    %eq3A_643 = arith.cmpi eq, %add3A_116, %eq3A_642 : vector<1x1152xi32>
    %jit3A_644 = arith.constant 0.000000e+00 : f32
    %broadcast_in_dim3A_645 = vector.shape_cast %eq3A_643 : vector<1x1152xi1> to vector<1x1152xi1>
    %broadcast_in_dim3A_646 = vector.broadcast %broadcast_in_dim3A_645 : vector<1x1152xi1> to vector<24x1152xi1>
    %broadcast_in_dim3A_647 = vector.broadcast %jit3A_644 : f32 to vector<24x1152xf32>
    %select_n3A_648 = arith.select %broadcast_in_dim3A_646, %mul3A_124, %broadcast_in_dim3A_647 : vector<24x1152xi1>, vector<24x1152xf32>
    %swap3A_649 = arith.constant 0 : index
    %swap3A_650 = arith.constant 40 : index
    %swap3A_651 = arith.constant 0 : index
    %swap3A_652 = vector.load %arg9[%swap3A_649, %swap3A_650, %swap3A_651] : memref<24x80x1152xf32, #tpu.memory_space<vmem>>, vector<24x1x1152xf32>
    %swap3A_653 = vector.shape_cast %swap3A_652 : vector<24x1x1152xf32> to vector<24x1152xf32>
    %swap3A_654 = vector.shape_cast %select_n3A_648 : vector<24x1152xf32> to vector<24x1x1152xf32>
    tpu.vector_store %arg9[%swap3A_649, %swap3A_650, %swap3A_651], %swap3A_654 {strides = array<i32>} : memref<24x80x1152xf32, #tpu.memory_space<vmem>>, vector<24x1x1152xf32>,
    %jit3A_655 = arith.constant 0.000000e+00 : f32
    %broadcast_in_dim3A_656 = vector.shape_cast %eq3A_643 : vector<1x1152xi1> to vector<1x1152xi1>
    %broadcast_in_dim3A_657 = vector.broadcast %broadcast_in_dim3A_656 : vector<1x1152xi1> to vector<24x1152xi1>
    %broadcast_in_dim3A_658 = vector.broadcast %jit3A_655 : f32 to vector<24x1152xf32>
    %select_n3A_659 = arith.select %broadcast_in_dim3A_657, %mul3A_133, %broadcast_in_dim3A_658 : vector<24x1152xi1>, vector<24x1152xf32>
    %swap3A_660 = arith.constant 0 : index
    %swap3A_661 = arith.constant 41 : index
    %swap3A_662 = arith.constant 0 : index
    %swap3A_663 = vector.load %arg9[%swap3A_660, %swap3A_661, %swap3A_662] : memref<24x80x1152xf32, #tpu.memory_space<vmem>>, vector<24x1x1152xf32>
    %swap3A_664 = vector.shape_cast %swap3A_663 : vector<24x1x1152xf32> to vector<24x1152xf32>
    %swap3A_665 = vector.shape_cast %select_n3A_659 : vector<24x1152xf32> to vector<24x1x1152xf32>
    tpu.vector_store %arg9[%swap3A_660, %swap3A_661, %swap3A_662], %swap3A_665 {strides = array<i32>} : memref<24x80x1152xf32, #tpu.memory_space<vmem>>, vector<24x1x1152xf32>,
    %jit3A_666 = arith.constant 0.000000e+00 : f32
    %broadcast_in_dim3A_667 = vector.shape_cast %eq3A_643 : vector<1x1152xi1> to vector<1x1152xi1>
    %broadcast_in_dim3A_668 = vector.broadcast %broadcast_in_dim3A_667 : vector<1x1152xi1> to vector<24x1152xi1>
    %broadcast_in_dim3A_669 = vector.broadcast %jit3A_666 : f32 to vector<24x1152xf32>
    %select_n3A_670 = arith.select %broadcast_in_dim3A_668, %mul3A_142, %broadcast_in_dim3A_669 : vector<24x1152xi1>, vector<24x1152xf32>
    %swap3A_671 = arith.constant 0 : index
    %swap3A_672 = arith.constant 42 : index
    %swap3A_673 = arith.constant 0 : index
    %swap3A_674 = vector.load %arg9[%swap3A_671, %swap3A_672, %swap3A_673] : memref<24x80x1152xf32, #tpu.memory_space<vmem>>, vector<24x1x1152xf32>
    %swap3A_675 = vector.shape_cast %swap3A_674 : vector<24x1x1152xf32> to vector<24x1152xf32>
    %swap3A_676 = vector.shape_cast %select_n3A_670 : vector<24x1152xf32> to vector<24x1x1152xf32>
    tpu.vector_store %arg9[%swap3A_671, %swap3A_672, %swap3A_673], %swap3A_676 {strides = array<i32>} : memref<24x80x1152xf32, #tpu.memory_space<vmem>>, vector<24x1x1152xf32>,
    %jit3A_677 = arith.constant 0.000000e+00 : f32
    %broadcast_in_dim3A_678 = vector.shape_cast %eq3A_643 : vector<1x1152xi1> to vector<1x1152xi1>
    %broadcast_in_dim3A_679 = vector.broadcast %broadcast_in_dim3A_678 : vector<1x1152xi1> to vector<24x1152xi1>
    %broadcast_in_dim3A_680 = vector.broadcast %jit3A_677 : f32 to vector<24x1152xf32>
    %select_n3A_681 = arith.select %broadcast_in_dim3A_679, %mul3A_151, %broadcast_in_dim3A_680 : vector<24x1152xi1>, vector<24x1152xf32>
    %swap3A_682 = arith.constant 0 : index
    %swap3A_683 = arith.constant 43 : index
    %swap3A_684 = arith.constant 0 : index
    %swap3A_685 = vector.load %arg9[%swap3A_682, %swap3A_683, %swap3A_684] : memref<24x80x1152xf32, #tpu.memory_space<vmem>>, vector<24x1x1152xf32>
    %swap3A_686 = vector.shape_cast %swap3A_685 : vector<24x1x1152xf32> to vector<24x1152xf32>
    %swap3A_687 = vector.shape_cast %select_n3A_681 : vector<24x1152xf32> to vector<24x1x1152xf32>
    tpu.vector_store %arg9[%swap3A_682, %swap3A_683, %swap3A_684], %swap3A_687 {strides = array<i32>} : memref<24x80x1152xf32, #tpu.memory_space<vmem>>, vector<24x1x1152xf32>,
    %jit3A_688 = arith.constant 0.000000e+00 : f32
    %broadcast_in_dim3A_689 = vector.shape_cast %eq3A_643 : vector<1x1152xi1> to vector<1x1152xi1>
    %broadcast_in_dim3A_690 = vector.broadcast %broadcast_in_dim3A_689 : vector<1x1152xi1> to vector<24x1152xi1>
    %broadcast_in_dim3A_691 = vector.broadcast %jit3A_688 : f32 to vector<24x1152xf32>
    %select_n3A_692 = arith.select %broadcast_in_dim3A_690, %mul3A_160, %broadcast_in_dim3A_691 : vector<24x1152xi1>, vector<24x1152xf32>
    %swap3A_693 = arith.constant 0 : index
    %swap3A_694 = arith.constant 44 : index
    %swap3A_695 = arith.constant 0 : index
    %swap3A_696 = vector.load %arg9[%swap3A_693, %swap3A_694, %swap3A_695] : memref<24x80x1152xf32, #tpu.memory_space<vmem>>, vector<24x1x1152xf32>
    %swap3A_697 = vector.shape_cast %swap3A_696 : vector<24x1x1152xf32> to vector<24x1152xf32>
    %swap3A_698 = vector.shape_cast %select_n3A_692 : vector<24x1152xf32> to vector<24x1x1152xf32>
    tpu.vector_store %arg9[%swap3A_693, %swap3A_694, %swap3A_695], %swap3A_698 {strides = array<i32>} : memref<24x80x1152xf32, #tpu.memory_space<vmem>>, vector<24x1x1152xf32>,
    %jit3A_699 = arith.constant 0.000000e+00 : f32
    %broadcast_in_dim3A_700 = vector.shape_cast %eq3A_643 : vector<1x1152xi1> to vector<1x1152xi1>
    %broadcast_in_dim3A_701 = vector.broadcast %broadcast_in_dim3A_700 : vector<1x1152xi1> to vector<24x1152xi1>
    %broadcast_in_dim3A_702 = vector.broadcast %jit3A_699 : f32 to vector<24x1152xf32>
    %select_n3A_703 = arith.select %broadcast_in_dim3A_701, %mul3A_169, %broadcast_in_dim3A_702 : vector<24x1152xi1>, vector<24x1152xf32>
    %swap3A_704 = arith.constant 0 : index
    %swap3A_705 = arith.constant 45 : index
    %swap3A_706 = arith.constant 0 : index
    %swap3A_707 = vector.load %arg9[%swap3A_704, %swap3A_705, %swap3A_706] : memref<24x80x1152xf32, #tpu.memory_space<vmem>>, vector<24x1x1152xf32>
    %swap3A_708 = vector.shape_cast %swap3A_707 : vector<24x1x1152xf32> to vector<24x1152xf32>
    %swap3A_709 = vector.shape_cast %select_n3A_703 : vector<24x1152xf32> to vector<24x1x1152xf32>
    tpu.vector_store %arg9[%swap3A_704, %swap3A_705, %swap3A_706], %swap3A_709 {strides = array<i32>} : memref<24x80x1152xf32, #tpu.memory_space<vmem>>, vector<24x1x1152xf32>,
    %jit3A_710 = arith.constant 0.000000e+00 : f32
    %broadcast_in_dim3A_711 = vector.shape_cast %eq3A_643 : vector<1x1152xi1> to vector<1x1152xi1>
    %broadcast_in_dim3A_712 = vector.broadcast %broadcast_in_dim3A_711 : vector<1x1152xi1> to vector<24x1152xi1>
    %broadcast_in_dim3A_713 = vector.broadcast %jit3A_710 : f32 to vector<24x1152xf32>
    %select_n3A_714 = arith.select %broadcast_in_dim3A_712, %mul3A_178, %broadcast_in_dim3A_713 : vector<24x1152xi1>, vector<24x1152xf32>
    %swap3A_715 = arith.constant 0 : index
    %swap3A_716 = arith.constant 46 : index
    %swap3A_717 = arith.constant 0 : index
    %swap3A_718 = vector.load %arg9[%swap3A_715, %swap3A_716, %swap3A_717] : memref<24x80x1152xf32, #tpu.memory_space<vmem>>, vector<24x1x1152xf32>
    %swap3A_719 = vector.shape_cast %swap3A_718 : vector<24x1x1152xf32> to vector<24x1152xf32>
    %swap3A_720 = vector.shape_cast %select_n3A_714 : vector<24x1152xf32> to vector<24x1x1152xf32>
    tpu.vector_store %arg9[%swap3A_715, %swap3A_716, %swap3A_717], %swap3A_720 {strides = array<i32>} : memref<24x80x1152xf32, #tpu.memory_space<vmem>>, vector<24x1x1152xf32>,
    %jit3A_721 = arith.constant 0.000000e+00 : f32
    %broadcast_in_dim3A_722 = vector.shape_cast %eq3A_643 : vector<1x1152xi1> to vector<1x1152xi1>
    %broadcast_in_dim3A_723 = vector.broadcast %broadcast_in_dim3A_722 : vector<1x1152xi1> to vector<24x1152xi1>
    %broadcast_in_dim3A_724 = vector.broadcast %jit3A_721 : f32 to vector<24x1152xf32>
    %select_n3A_725 = arith.select %broadcast_in_dim3A_723, %mul3A_187, %broadcast_in_dim3A_724 : vector<24x1152xi1>, vector<24x1152xf32>
    %swap3A_726 = arith.constant 0 : index
    %swap3A_727 = arith.constant 47 : index
    %swap3A_728 = arith.constant 0 : index
    %swap3A_729 = vector.load %arg9[%swap3A_726, %swap3A_727, %swap3A_728] : memref<24x80x1152xf32, #tpu.memory_space<vmem>>, vector<24x1x1152xf32>
    %swap3A_730 = vector.shape_cast %swap3A_729 : vector<24x1x1152xf32> to vector<24x1152xf32>
    %swap3A_731 = vector.shape_cast %select_n3A_725 : vector<24x1152xf32> to vector<24x1x1152xf32>
    tpu.vector_store %arg9[%swap3A_726, %swap3A_727, %swap3A_728], %swap3A_731 {strides = array<i32>} : memref<24x80x1152xf32, #tpu.memory_space<vmem>>, vector<24x1x1152xf32>,
    %eq3A_732 = arith.constant 6 : i32
    %eq3A_733 = vector.broadcast %eq3A_732 : i32 to vector<1x1152xi32>
    %eq3A_734 = arith.cmpi eq, %add3A_116, %eq3A_733 : vector<1x1152xi32>
    %jit3A_735 = arith.constant 0.000000e+00 : f32
    %broadcast_in_dim3A_736 = vector.shape_cast %eq3A_734 : vector<1x1152xi1> to vector<1x1152xi1>
    %broadcast_in_dim3A_737 = vector.broadcast %broadcast_in_dim3A_736 : vector<1x1152xi1> to vector<24x1152xi1>
    %broadcast_in_dim3A_738 = vector.broadcast %jit3A_735 : f32 to vector<24x1152xf32>
    %select_n3A_739 = arith.select %broadcast_in_dim3A_737, %mul3A_124, %broadcast_in_dim3A_738 : vector<24x1152xi1>, vector<24x1152xf32>
    %swap3A_740 = arith.constant 0 : index
    %swap3A_741 = arith.constant 48 : index
    %swap3A_742 = arith.constant 0 : index
    %swap3A_743 = vector.load %arg9[%swap3A_740, %swap3A_741, %swap3A_742] : memref<24x80x1152xf32, #tpu.memory_space<vmem>>, vector<24x1x1152xf32>
    %swap3A_744 = vector.shape_cast %swap3A_743 : vector<24x1x1152xf32> to vector<24x1152xf32>
    %swap3A_745 = vector.shape_cast %select_n3A_739 : vector<24x1152xf32> to vector<24x1x1152xf32>
    tpu.vector_store %arg9[%swap3A_740, %swap3A_741, %swap3A_742], %swap3A_745 {strides = array<i32>} : memref<24x80x1152xf32, #tpu.memory_space<vmem>>, vector<24x1x1152xf32>,
    %jit3A_746 = arith.constant 0.000000e+00 : f32
    %broadcast_in_dim3A_747 = vector.shape_cast %eq3A_734 : vector<1x1152xi1> to vector<1x1152xi1>
    %broadcast_in_dim3A_748 = vector.broadcast %broadcast_in_dim3A_747 : vector<1x1152xi1> to vector<24x1152xi1>
    %broadcast_in_dim3A_749 = vector.broadcast %jit3A_746 : f32 to vector<24x1152xf32>
    %select_n3A_750 = arith.select %broadcast_in_dim3A_748, %mul3A_133, %broadcast_in_dim3A_749 : vector<24x1152xi1>, vector<24x1152xf32>
    %swap3A_751 = arith.constant 0 : index
    %swap3A_752 = arith.constant 49 : index
    %swap3A_753 = arith.constant 0 : index
    %swap3A_754 = vector.load %arg9[%swap3A_751, %swap3A_752, %swap3A_753] : memref<24x80x1152xf32, #tpu.memory_space<vmem>>, vector<24x1x1152xf32>
    %swap3A_755 = vector.shape_cast %swap3A_754 : vector<24x1x1152xf32> to vector<24x1152xf32>
    %swap3A_756 = vector.shape_cast %select_n3A_750 : vector<24x1152xf32> to vector<24x1x1152xf32>
    tpu.vector_store %arg9[%swap3A_751, %swap3A_752, %swap3A_753], %swap3A_756 {strides = array<i32>} : memref<24x80x1152xf32, #tpu.memory_space<vmem>>, vector<24x1x1152xf32>,
    %jit3A_757 = arith.constant 0.000000e+00 : f32
    %broadcast_in_dim3A_758 = vector.shape_cast %eq3A_734 : vector<1x1152xi1> to vector<1x1152xi1>
    %broadcast_in_dim3A_759 = vector.broadcast %broadcast_in_dim3A_758 : vector<1x1152xi1> to vector<24x1152xi1>
    %broadcast_in_dim3A_760 = vector.broadcast %jit3A_757 : f32 to vector<24x1152xf32>
    %select_n3A_761 = arith.select %broadcast_in_dim3A_759, %mul3A_142, %broadcast_in_dim3A_760 : vector<24x1152xi1>, vector<24x1152xf32>
    %swap3A_762 = arith.constant 0 : index
    %swap3A_763 = arith.constant 50 : index
    %swap3A_764 = arith.constant 0 : index
    %swap3A_765 = vector.load %arg9[%swap3A_762, %swap3A_763, %swap3A_764] : memref<24x80x1152xf32, #tpu.memory_space<vmem>>, vector<24x1x1152xf32>
    %swap3A_766 = vector.shape_cast %swap3A_765 : vector<24x1x1152xf32> to vector<24x1152xf32>
    %swap3A_767 = vector.shape_cast %select_n3A_761 : vector<24x1152xf32> to vector<24x1x1152xf32>
    tpu.vector_store %arg9[%swap3A_762, %swap3A_763, %swap3A_764], %swap3A_767 {strides = array<i32>} : memref<24x80x1152xf32, #tpu.memory_space<vmem>>, vector<24x1x1152xf32>,
    %jit3A_768 = arith.constant 0.000000e+00 : f32
    %broadcast_in_dim3A_769 = vector.shape_cast %eq3A_734 : vector<1x1152xi1> to vector<1x1152xi1>
    %broadcast_in_dim3A_770 = vector.broadcast %broadcast_in_dim3A_769 : vector<1x1152xi1> to vector<24x1152xi1>
    %broadcast_in_dim3A_771 = vector.broadcast %jit3A_768 : f32 to vector<24x1152xf32>
    %select_n3A_772 = arith.select %broadcast_in_dim3A_770, %mul3A_151, %broadcast_in_dim3A_771 : vector<24x1152xi1>, vector<24x1152xf32>
    %swap3A_773 = arith.constant 0 : index
    %swap3A_774 = arith.constant 51 : index
    %swap3A_775 = arith.constant 0 : index
    %swap3A_776 = vector.load %arg9[%swap3A_773, %swap3A_774, %swap3A_775] : memref<24x80x1152xf32, #tpu.memory_space<vmem>>, vector<24x1x1152xf32>
    %swap3A_777 = vector.shape_cast %swap3A_776 : vector<24x1x1152xf32> to vector<24x1152xf32>
    %swap3A_778 = vector.shape_cast %select_n3A_772 : vector<24x1152xf32> to vector<24x1x1152xf32>
    tpu.vector_store %arg9[%swap3A_773, %swap3A_774, %swap3A_775], %swap3A_778 {strides = array<i32>} : memref<24x80x1152xf32, #tpu.memory_space<vmem>>, vector<24x1x1152xf32>,
    %jit3A_779 = arith.constant 0.000000e+00 : f32
    %broadcast_in_dim3A_780 = vector.shape_cast %eq3A_734 : vector<1x1152xi1> to vector<1x1152xi1>
    %broadcast_in_dim3A_781 = vector.broadcast %broadcast_in_dim3A_780 : vector<1x1152xi1> to vector<24x1152xi1>
    %broadcast_in_dim3A_782 = vector.broadcast %jit3A_779 : f32 to vector<24x1152xf32>
    %select_n3A_783 = arith.select %broadcast_in_dim3A_781, %mul3A_160, %broadcast_in_dim3A_782 : vector<24x1152xi1>, vector<24x1152xf32>
    %swap3A_784 = arith.constant 0 : index
    %swap3A_785 = arith.constant 52 : index
    %swap3A_786 = arith.constant 0 : index
    %swap3A_787 = vector.load %arg9[%swap3A_784, %swap3A_785, %swap3A_786] : memref<24x80x1152xf32, #tpu.memory_space<vmem>>, vector<24x1x1152xf32>
    %swap3A_788 = vector.shape_cast %swap3A_787 : vector<24x1x1152xf32> to vector<24x1152xf32>
    %swap3A_789 = vector.shape_cast %select_n3A_783 : vector<24x1152xf32> to vector<24x1x1152xf32>
    tpu.vector_store %arg9[%swap3A_784, %swap3A_785, %swap3A_786], %swap3A_789 {strides = array<i32>} : memref<24x80x1152xf32, #tpu.memory_space<vmem>>, vector<24x1x1152xf32>,
    %jit3A_790 = arith.constant 0.000000e+00 : f32
    %broadcast_in_dim3A_791 = vector.shape_cast %eq3A_734 : vector<1x1152xi1> to vector<1x1152xi1>
    %broadcast_in_dim3A_792 = vector.broadcast %broadcast_in_dim3A_791 : vector<1x1152xi1> to vector<24x1152xi1>
    %broadcast_in_dim3A_793 = vector.broadcast %jit3A_790 : f32 to vector<24x1152xf32>
    %select_n3A_794 = arith.select %broadcast_in_dim3A_792, %mul3A_169, %broadcast_in_dim3A_793 : vector<24x1152xi1>, vector<24x1152xf32>
    %swap3A_795 = arith.constant 0 : index
    %swap3A_796 = arith.constant 53 : index
    %swap3A_797 = arith.constant 0 : index
    %swap3A_798 = vector.load %arg9[%swap3A_795, %swap3A_796, %swap3A_797] : memref<24x80x1152xf32, #tpu.memory_space<vmem>>, vector<24x1x1152xf32>
    %swap3A_799 = vector.shape_cast %swap3A_798 : vector<24x1x1152xf32> to vector<24x1152xf32>
    %swap3A_800 = vector.shape_cast %select_n3A_794 : vector<24x1152xf32> to vector<24x1x1152xf32>
    tpu.vector_store %arg9[%swap3A_795, %swap3A_796, %swap3A_797], %swap3A_800 {strides = array<i32>} : memref<24x80x1152xf32, #tpu.memory_space<vmem>>, vector<24x1x1152xf32>,
    %jit3A_801 = arith.constant 0.000000e+00 : f32
    %broadcast_in_dim3A_802 = vector.shape_cast %eq3A_734 : vector<1x1152xi1> to vector<1x1152xi1>
    %broadcast_in_dim3A_803 = vector.broadcast %broadcast_in_dim3A_802 : vector<1x1152xi1> to vector<24x1152xi1>
    %broadcast_in_dim3A_804 = vector.broadcast %jit3A_801 : f32 to vector<24x1152xf32>
    %select_n3A_805 = arith.select %broadcast_in_dim3A_803, %mul3A_178, %broadcast_in_dim3A_804 : vector<24x1152xi1>, vector<24x1152xf32>
    %swap3A_806 = arith.constant 0 : index
    %swap3A_807 = arith.constant 54 : index
    %swap3A_808 = arith.constant 0 : index
    %swap3A_809 = vector.load %arg9[%swap3A_806, %swap3A_807, %swap3A_808] : memref<24x80x1152xf32, #tpu.memory_space<vmem>>, vector<24x1x1152xf32>
    %swap3A_810 = vector.shape_cast %swap3A_809 : vector<24x1x1152xf32> to vector<24x1152xf32>
    %swap3A_811 = vector.shape_cast %select_n3A_805 : vector<24x1152xf32> to vector<24x1x1152xf32>
    tpu.vector_store %arg9[%swap3A_806, %swap3A_807, %swap3A_808], %swap3A_811 {strides = array<i32>} : memref<24x80x1152xf32, #tpu.memory_space<vmem>>, vector<24x1x1152xf32>,
    %jit3A_812 = arith.constant 0.000000e+00 : f32
    %broadcast_in_dim3A_813 = vector.shape_cast %eq3A_734 : vector<1x1152xi1> to vector<1x1152xi1>
    %broadcast_in_dim3A_814 = vector.broadcast %broadcast_in_dim3A_813 : vector<1x1152xi1> to vector<24x1152xi1>
    %broadcast_in_dim3A_815 = vector.broadcast %jit3A_812 : f32 to vector<24x1152xf32>
    %select_n3A_816 = arith.select %broadcast_in_dim3A_814, %mul3A_187, %broadcast_in_dim3A_815 : vector<24x1152xi1>, vector<24x1152xf32>
    %swap3A_817 = arith.constant 0 : index
    %swap3A_818 = arith.constant 55 : index
    %swap3A_819 = arith.constant 0 : index
    %swap3A_820 = vector.load %arg9[%swap3A_817, %swap3A_818, %swap3A_819] : memref<24x80x1152xf32, #tpu.memory_space<vmem>>, vector<24x1x1152xf32>
    %swap3A_821 = vector.shape_cast %swap3A_820 : vector<24x1x1152xf32> to vector<24x1152xf32>
    %swap3A_822 = vector.shape_cast %select_n3A_816 : vector<24x1152xf32> to vector<24x1x1152xf32>
    tpu.vector_store %arg9[%swap3A_817, %swap3A_818, %swap3A_819], %swap3A_822 {strides = array<i32>} : memref<24x80x1152xf32, #tpu.memory_space<vmem>>, vector<24x1x1152xf32>,
    %eq3A_823 = arith.constant 7 : i32
    %eq3A_824 = vector.broadcast %eq3A_823 : i32 to vector<1x1152xi32>
    %eq3A_825 = arith.cmpi eq, %add3A_116, %eq3A_824 : vector<1x1152xi32>
    %jit3A_826 = arith.constant 0.000000e+00 : f32
    %broadcast_in_dim3A_827 = vector.shape_cast %eq3A_825 : vector<1x1152xi1> to vector<1x1152xi1>
    %broadcast_in_dim3A_828 = vector.broadcast %broadcast_in_dim3A_827 : vector<1x1152xi1> to vector<24x1152xi1>
    %broadcast_in_dim3A_829 = vector.broadcast %jit3A_826 : f32 to vector<24x1152xf32>
    %select_n3A_830 = arith.select %broadcast_in_dim3A_828, %mul3A_124, %broadcast_in_dim3A_829 : vector<24x1152xi1>, vector<24x1152xf32>
    %swap3A_831 = arith.constant 0 : index
    %swap3A_832 = arith.constant 56 : index
    %swap3A_833 = arith.constant 0 : index
    %swap3A_834 = vector.load %arg9[%swap3A_831, %swap3A_832, %swap3A_833] : memref<24x80x1152xf32, #tpu.memory_space<vmem>>, vector<24x1x1152xf32>
    %swap3A_835 = vector.shape_cast %swap3A_834 : vector<24x1x1152xf32> to vector<24x1152xf32>
    %swap3A_836 = vector.shape_cast %select_n3A_830 : vector<24x1152xf32> to vector<24x1x1152xf32>
    tpu.vector_store %arg9[%swap3A_831, %swap3A_832, %swap3A_833], %swap3A_836 {strides = array<i32>} : memref<24x80x1152xf32, #tpu.memory_space<vmem>>, vector<24x1x1152xf32>,
    %jit3A_837 = arith.constant 0.000000e+00 : f32
    %broadcast_in_dim3A_838 = vector.shape_cast %eq3A_825 : vector<1x1152xi1> to vector<1x1152xi1>
    %broadcast_in_dim3A_839 = vector.broadcast %broadcast_in_dim3A_838 : vector<1x1152xi1> to vector<24x1152xi1>
    %broadcast_in_dim3A_840 = vector.broadcast %jit3A_837 : f32 to vector<24x1152xf32>
    %select_n3A_841 = arith.select %broadcast_in_dim3A_839, %mul3A_133, %broadcast_in_dim3A_840 : vector<24x1152xi1>, vector<24x1152xf32>
    %swap3A_842 = arith.constant 0 : index
    %swap3A_843 = arith.constant 57 : index
    %swap3A_844 = arith.constant 0 : index
    %swap3A_845 = vector.load %arg9[%swap3A_842, %swap3A_843, %swap3A_844] : memref<24x80x1152xf32, #tpu.memory_space<vmem>>, vector<24x1x1152xf32>
    %swap3A_846 = vector.shape_cast %swap3A_845 : vector<24x1x1152xf32> to vector<24x1152xf32>
    %swap3A_847 = vector.shape_cast %select_n3A_841 : vector<24x1152xf32> to vector<24x1x1152xf32>
    tpu.vector_store %arg9[%swap3A_842, %swap3A_843, %swap3A_844], %swap3A_847 {strides = array<i32>} : memref<24x80x1152xf32, #tpu.memory_space<vmem>>, vector<24x1x1152xf32>,
    %jit3A_848 = arith.constant 0.000000e+00 : f32
    %broadcast_in_dim3A_849 = vector.shape_cast %eq3A_825 : vector<1x1152xi1> to vector<1x1152xi1>
    %broadcast_in_dim3A_850 = vector.broadcast %broadcast_in_dim3A_849 : vector<1x1152xi1> to vector<24x1152xi1>
    %broadcast_in_dim3A_851 = vector.broadcast %jit3A_848 : f32 to vector<24x1152xf32>
    %select_n3A_852 = arith.select %broadcast_in_dim3A_850, %mul3A_142, %broadcast_in_dim3A_851 : vector<24x1152xi1>, vector<24x1152xf32>
    %swap3A_853 = arith.constant 0 : index
    %swap3A_854 = arith.constant 58 : index
    %swap3A_855 = arith.constant 0 : index
    %swap3A_856 = vector.load %arg9[%swap3A_853, %swap3A_854, %swap3A_855] : memref<24x80x1152xf32, #tpu.memory_space<vmem>>, vector<24x1x1152xf32>
    %swap3A_857 = vector.shape_cast %swap3A_856 : vector<24x1x1152xf32> to vector<24x1152xf32>
    %swap3A_858 = vector.shape_cast %select_n3A_852 : vector<24x1152xf32> to vector<24x1x1152xf32>
    tpu.vector_store %arg9[%swap3A_853, %swap3A_854, %swap3A_855], %swap3A_858 {strides = array<i32>} : memref<24x80x1152xf32, #tpu.memory_space<vmem>>, vector<24x1x1152xf32>,
    %jit3A_859 = arith.constant 0.000000e+00 : f32
    %broadcast_in_dim3A_860 = vector.shape_cast %eq3A_825 : vector<1x1152xi1> to vector<1x1152xi1>
    %broadcast_in_dim3A_861 = vector.broadcast %broadcast_in_dim3A_860 : vector<1x1152xi1> to vector<24x1152xi1>
    %broadcast_in_dim3A_862 = vector.broadcast %jit3A_859 : f32 to vector<24x1152xf32>
    %select_n3A_863 = arith.select %broadcast_in_dim3A_861, %mul3A_151, %broadcast_in_dim3A_862 : vector<24x1152xi1>, vector<24x1152xf32>
    %swap3A_864 = arith.constant 0 : index
    %swap3A_865 = arith.constant 59 : index
    %swap3A_866 = arith.constant 0 : index
    %swap3A_867 = vector.load %arg9[%swap3A_864, %swap3A_865, %swap3A_866] : memref<24x80x1152xf32, #tpu.memory_space<vmem>>, vector<24x1x1152xf32>
    %swap3A_868 = vector.shape_cast %swap3A_867 : vector<24x1x1152xf32> to vector<24x1152xf32>
    %swap3A_869 = vector.shape_cast %select_n3A_863 : vector<24x1152xf32> to vector<24x1x1152xf32>
    tpu.vector_store %arg9[%swap3A_864, %swap3A_865, %swap3A_866], %swap3A_869 {strides = array<i32>} : memref<24x80x1152xf32, #tpu.memory_space<vmem>>, vector<24x1x1152xf32>,
    %jit3A_870 = arith.constant 0.000000e+00 : f32
    %broadcast_in_dim3A_871 = vector.shape_cast %eq3A_825 : vector<1x1152xi1> to vector<1x1152xi1>
    %broadcast_in_dim3A_872 = vector.broadcast %broadcast_in_dim3A_871 : vector<1x1152xi1> to vector<24x1152xi1>
    %broadcast_in_dim3A_873 = vector.broadcast %jit3A_870 : f32 to vector<24x1152xf32>
    %select_n3A_874 = arith.select %broadcast_in_dim3A_872, %mul3A_160, %broadcast_in_dim3A_873 : vector<24x1152xi1>, vector<24x1152xf32>
    %swap3A_875 = arith.constant 0 : index
    %swap3A_876 = arith.constant 60 : index
    %swap3A_877 = arith.constant 0 : index
    %swap3A_878 = vector.load %arg9[%swap3A_875, %swap3A_876, %swap3A_877] : memref<24x80x1152xf32, #tpu.memory_space<vmem>>, vector<24x1x1152xf32>
    %swap3A_879 = vector.shape_cast %swap3A_878 : vector<24x1x1152xf32> to vector<24x1152xf32>
    %swap3A_880 = vector.shape_cast %select_n3A_874 : vector<24x1152xf32> to vector<24x1x1152xf32>
    tpu.vector_store %arg9[%swap3A_875, %swap3A_876, %swap3A_877], %swap3A_880 {strides = array<i32>} : memref<24x80x1152xf32, #tpu.memory_space<vmem>>, vector<24x1x1152xf32>,
    %jit3A_881 = arith.constant 0.000000e+00 : f32
    %broadcast_in_dim3A_882 = vector.shape_cast %eq3A_825 : vector<1x1152xi1> to vector<1x1152xi1>
    %broadcast_in_dim3A_883 = vector.broadcast %broadcast_in_dim3A_882 : vector<1x1152xi1> to vector<24x1152xi1>
    %broadcast_in_dim3A_884 = vector.broadcast %jit3A_881 : f32 to vector<24x1152xf32>
    %select_n3A_885 = arith.select %broadcast_in_dim3A_883, %mul3A_169, %broadcast_in_dim3A_884 : vector<24x1152xi1>, vector<24x1152xf32>
    %swap3A_886 = arith.constant 0 : index
    %swap3A_887 = arith.constant 61 : index
    %swap3A_888 = arith.constant 0 : index
    %swap3A_889 = vector.load %arg9[%swap3A_886, %swap3A_887, %swap3A_888] : memref<24x80x1152xf32, #tpu.memory_space<vmem>>, vector<24x1x1152xf32>
    %swap3A_890 = vector.shape_cast %swap3A_889 : vector<24x1x1152xf32> to vector<24x1152xf32>
    %swap3A_891 = vector.shape_cast %select_n3A_885 : vector<24x1152xf32> to vector<24x1x1152xf32>
    tpu.vector_store %arg9[%swap3A_886, %swap3A_887, %swap3A_888], %swap3A_891 {strides = array<i32>} : memref<24x80x1152xf32, #tpu.memory_space<vmem>>, vector<24x1x1152xf32>,
    %jit3A_892 = arith.constant 0.000000e+00 : f32
    %broadcast_in_dim3A_893 = vector.shape_cast %eq3A_825 : vector<1x1152xi1> to vector<1x1152xi1>
    %broadcast_in_dim3A_894 = vector.broadcast %broadcast_in_dim3A_893 : vector<1x1152xi1> to vector<24x1152xi1>
    %broadcast_in_dim3A_895 = vector.broadcast %jit3A_892 : f32 to vector<24x1152xf32>
    %select_n3A_896 = arith.select %broadcast_in_dim3A_894, %mul3A_178, %broadcast_in_dim3A_895 : vector<24x1152xi1>, vector<24x1152xf32>
    %swap3A_897 = arith.constant 0 : index
    %swap3A_898 = arith.constant 62 : index
    %swap3A_899 = arith.constant 0 : index
    %swap3A_900 = vector.load %arg9[%swap3A_897, %swap3A_898, %swap3A_899] : memref<24x80x1152xf32, #tpu.memory_space<vmem>>, vector<24x1x1152xf32>
    %swap3A_901 = vector.shape_cast %swap3A_900 : vector<24x1x1152xf32> to vector<24x1152xf32>
    %swap3A_902 = vector.shape_cast %select_n3A_896 : vector<24x1152xf32> to vector<24x1x1152xf32>
    tpu.vector_store %arg9[%swap3A_897, %swap3A_898, %swap3A_899], %swap3A_902 {strides = array<i32>} : memref<24x80x1152xf32, #tpu.memory_space<vmem>>, vector<24x1x1152xf32>,
    %jit3A_903 = arith.constant 0.000000e+00 : f32
    %broadcast_in_dim3A_904 = vector.shape_cast %eq3A_825 : vector<1x1152xi1> to vector<1x1152xi1>
    %broadcast_in_dim3A_905 = vector.broadcast %broadcast_in_dim3A_904 : vector<1x1152xi1> to vector<24x1152xi1>
    %broadcast_in_dim3A_906 = vector.broadcast %jit3A_903 : f32 to vector<24x1152xf32>
    %select_n3A_907 = arith.select %broadcast_in_dim3A_905, %mul3A_187, %broadcast_in_dim3A_906 : vector<24x1152xi1>, vector<24x1152xf32>
    %swap3A_908 = arith.constant 0 : index
    %swap3A_909 = arith.constant 63 : index
    %swap3A_910 = arith.constant 0 : index
    %swap3A_911 = vector.load %arg9[%swap3A_908, %swap3A_909, %swap3A_910] : memref<24x80x1152xf32, #tpu.memory_space<vmem>>, vector<24x1x1152xf32>
    %swap3A_912 = vector.shape_cast %swap3A_911 : vector<24x1x1152xf32> to vector<24x1152xf32>
    %swap3A_913 = vector.shape_cast %select_n3A_907 : vector<24x1152xf32> to vector<24x1x1152xf32>
    tpu.vector_store %arg9[%swap3A_908, %swap3A_909, %swap3A_910], %swap3A_913 {strides = array<i32>} : memref<24x80x1152xf32, #tpu.memory_space<vmem>>, vector<24x1x1152xf32>,
    %eq3A_914 = arith.constant 8 : i32
    %eq3A_915 = vector.broadcast %eq3A_914 : i32 to vector<1x1152xi32>
    %eq3A_916 = arith.cmpi eq, %add3A_116, %eq3A_915 : vector<1x1152xi32>
    %jit3A_917 = arith.constant 0.000000e+00 : f32
    %broadcast_in_dim3A_918 = vector.shape_cast %eq3A_916 : vector<1x1152xi1> to vector<1x1152xi1>
    %broadcast_in_dim3A_919 = vector.broadcast %broadcast_in_dim3A_918 : vector<1x1152xi1> to vector<24x1152xi1>
    %broadcast_in_dim3A_920 = vector.broadcast %jit3A_917 : f32 to vector<24x1152xf32>
    %select_n3A_921 = arith.select %broadcast_in_dim3A_919, %mul3A_124, %broadcast_in_dim3A_920 : vector<24x1152xi1>, vector<24x1152xf32>
    %swap3A_922 = arith.constant 0 : index
    %swap3A_923 = arith.constant 64 : index
    %swap3A_924 = arith.constant 0 : index
    %swap3A_925 = vector.load %arg9[%swap3A_922, %swap3A_923, %swap3A_924] : memref<24x80x1152xf32, #tpu.memory_space<vmem>>, vector<24x1x1152xf32>
    %swap3A_926 = vector.shape_cast %swap3A_925 : vector<24x1x1152xf32> to vector<24x1152xf32>
    %swap3A_927 = vector.shape_cast %select_n3A_921 : vector<24x1152xf32> to vector<24x1x1152xf32>
    tpu.vector_store %arg9[%swap3A_922, %swap3A_923, %swap3A_924], %swap3A_927 {strides = array<i32>} : memref<24x80x1152xf32, #tpu.memory_space<vmem>>, vector<24x1x1152xf32>,
    %jit3A_928 = arith.constant 0.000000e+00 : f32
    %broadcast_in_dim3A_929 = vector.shape_cast %eq3A_916 : vector<1x1152xi1> to vector<1x1152xi1>
    %broadcast_in_dim3A_930 = vector.broadcast %broadcast_in_dim3A_929 : vector<1x1152xi1> to vector<24x1152xi1>
    %broadcast_in_dim3A_931 = vector.broadcast %jit3A_928 : f32 to vector<24x1152xf32>
    %select_n3A_932 = arith.select %broadcast_in_dim3A_930, %mul3A_133, %broadcast_in_dim3A_931 : vector<24x1152xi1>, vector<24x1152xf32>
    %swap3A_933 = arith.constant 0 : index
    %swap3A_934 = arith.constant 65 : index
    %swap3A_935 = arith.constant 0 : index
    %swap3A_936 = vector.load %arg9[%swap3A_933, %swap3A_934, %swap3A_935] : memref<24x80x1152xf32, #tpu.memory_space<vmem>>, vector<24x1x1152xf32>
    %swap3A_937 = vector.shape_cast %swap3A_936 : vector<24x1x1152xf32> to vector<24x1152xf32>
    %swap3A_938 = vector.shape_cast %select_n3A_932 : vector<24x1152xf32> to vector<24x1x1152xf32>
    tpu.vector_store %arg9[%swap3A_933, %swap3A_934, %swap3A_935], %swap3A_938 {strides = array<i32>} : memref<24x80x1152xf32, #tpu.memory_space<vmem>>, vector<24x1x1152xf32>,
    %jit3A_939 = arith.constant 0.000000e+00 : f32
    %broadcast_in_dim3A_940 = vector.shape_cast %eq3A_916 : vector<1x1152xi1> to vector<1x1152xi1>
    %broadcast_in_dim3A_941 = vector.broadcast %broadcast_in_dim3A_940 : vector<1x1152xi1> to vector<24x1152xi1>
    %broadcast_in_dim3A_942 = vector.broadcast %jit3A_939 : f32 to vector<24x1152xf32>
    %select_n3A_943 = arith.select %broadcast_in_dim3A_941, %mul3A_142, %broadcast_in_dim3A_942 : vector<24x1152xi1>, vector<24x1152xf32>
    %swap3A_944 = arith.constant 0 : index
    %swap3A_945 = arith.constant 66 : index
    %swap3A_946 = arith.constant 0 : index
    %swap3A_947 = vector.load %arg9[%swap3A_944, %swap3A_945, %swap3A_946] : memref<24x80x1152xf32, #tpu.memory_space<vmem>>, vector<24x1x1152xf32>
    %swap3A_948 = vector.shape_cast %swap3A_947 : vector<24x1x1152xf32> to vector<24x1152xf32>
    %swap3A_949 = vector.shape_cast %select_n3A_943 : vector<24x1152xf32> to vector<24x1x1152xf32>
    tpu.vector_store %arg9[%swap3A_944, %swap3A_945, %swap3A_946], %swap3A_949 {strides = array<i32>} : memref<24x80x1152xf32, #tpu.memory_space<vmem>>, vector<24x1x1152xf32>,
    %jit3A_950 = arith.constant 0.000000e+00 : f32
    %broadcast_in_dim3A_951 = vector.shape_cast %eq3A_916 : vector<1x1152xi1> to vector<1x1152xi1>
    %broadcast_in_dim3A_952 = vector.broadcast %broadcast_in_dim3A_951 : vector<1x1152xi1> to vector<24x1152xi1>
    %broadcast_in_dim3A_953 = vector.broadcast %jit3A_950 : f32 to vector<24x1152xf32>
    %select_n3A_954 = arith.select %broadcast_in_dim3A_952, %mul3A_151, %broadcast_in_dim3A_953 : vector<24x1152xi1>, vector<24x1152xf32>
    %swap3A_955 = arith.constant 0 : index
    %swap3A_956 = arith.constant 67 : index
    %swap3A_957 = arith.constant 0 : index
    %swap3A_958 = vector.load %arg9[%swap3A_955, %swap3A_956, %swap3A_957] : memref<24x80x1152xf32, #tpu.memory_space<vmem>>, vector<24x1x1152xf32>
    %swap3A_959 = vector.shape_cast %swap3A_958 : vector<24x1x1152xf32> to vector<24x1152xf32>
    %swap3A_960 = vector.shape_cast %select_n3A_954 : vector<24x1152xf32> to vector<24x1x1152xf32>
    tpu.vector_store %arg9[%swap3A_955, %swap3A_956, %swap3A_957], %swap3A_960 {strides = array<i32>} : memref<24x80x1152xf32, #tpu.memory_space<vmem>>, vector<24x1x1152xf32>,
    %jit3A_961 = arith.constant 0.000000e+00 : f32
    %broadcast_in_dim3A_962 = vector.shape_cast %eq3A_916 : vector<1x1152xi1> to vector<1x1152xi1>
    %broadcast_in_dim3A_963 = vector.broadcast %broadcast_in_dim3A_962 : vector<1x1152xi1> to vector<24x1152xi1>
    %broadcast_in_dim3A_964 = vector.broadcast %jit3A_961 : f32 to vector<24x1152xf32>
    %select_n3A_965 = arith.select %broadcast_in_dim3A_963, %mul3A_160, %broadcast_in_dim3A_964 : vector<24x1152xi1>, vector<24x1152xf32>
    %swap3A_966 = arith.constant 0 : index
    %swap3A_967 = arith.constant 68 : index
    %swap3A_968 = arith.constant 0 : index
    %swap3A_969 = vector.load %arg9[%swap3A_966, %swap3A_967, %swap3A_968] : memref<24x80x1152xf32, #tpu.memory_space<vmem>>, vector<24x1x1152xf32>
    %swap3A_970 = vector.shape_cast %swap3A_969 : vector<24x1x1152xf32> to vector<24x1152xf32>
    %swap3A_971 = vector.shape_cast %select_n3A_965 : vector<24x1152xf32> to vector<24x1x1152xf32>
    tpu.vector_store %arg9[%swap3A_966, %swap3A_967, %swap3A_968], %swap3A_971 {strides = array<i32>} : memref<24x80x1152xf32, #tpu.memory_space<vmem>>, vector<24x1x1152xf32>,
    %jit3A_972 = arith.constant 0.000000e+00 : f32
    %broadcast_in_dim3A_973 = vector.shape_cast %eq3A_916 : vector<1x1152xi1> to vector<1x1152xi1>
    %broadcast_in_dim3A_974 = vector.broadcast %broadcast_in_dim3A_973 : vector<1x1152xi1> to vector<24x1152xi1>
    %broadcast_in_dim3A_975 = vector.broadcast %jit3A_972 : f32 to vector<24x1152xf32>
    %select_n3A_976 = arith.select %broadcast_in_dim3A_974, %mul3A_169, %broadcast_in_dim3A_975 : vector<24x1152xi1>, vector<24x1152xf32>
    %swap3A_977 = arith.constant 0 : index
    %swap3A_978 = arith.constant 69 : index
    %swap3A_979 = arith.constant 0 : index
    %swap3A_980 = vector.load %arg9[%swap3A_977, %swap3A_978, %swap3A_979] : memref<24x80x1152xf32, #tpu.memory_space<vmem>>, vector<24x1x1152xf32>
    %swap3A_981 = vector.shape_cast %swap3A_980 : vector<24x1x1152xf32> to vector<24x1152xf32>
    %swap3A_982 = vector.shape_cast %select_n3A_976 : vector<24x1152xf32> to vector<24x1x1152xf32>
    tpu.vector_store %arg9[%swap3A_977, %swap3A_978, %swap3A_979], %swap3A_982 {strides = array<i32>} : memref<24x80x1152xf32, #tpu.memory_space<vmem>>, vector<24x1x1152xf32>,
    %jit3A_983 = arith.constant 0.000000e+00 : f32
    %broadcast_in_dim3A_984 = vector.shape_cast %eq3A_916 : vector<1x1152xi1> to vector<1x1152xi1>
    %broadcast_in_dim3A_985 = vector.broadcast %broadcast_in_dim3A_984 : vector<1x1152xi1> to vector<24x1152xi1>
    %broadcast_in_dim3A_986 = vector.broadcast %jit3A_983 : f32 to vector<24x1152xf32>
    %select_n3A_987 = arith.select %broadcast_in_dim3A_985, %mul3A_178, %broadcast_in_dim3A_986 : vector<24x1152xi1>, vector<24x1152xf32>
    %swap3A_988 = arith.constant 0 : index
    %swap3A_989 = arith.constant 70 : index
    %swap3A_990 = arith.constant 0 : index
    %swap3A_991 = vector.load %arg9[%swap3A_988, %swap3A_989, %swap3A_990] : memref<24x80x1152xf32, #tpu.memory_space<vmem>>, vector<24x1x1152xf32>
    %swap3A_992 = vector.shape_cast %swap3A_991 : vector<24x1x1152xf32> to vector<24x1152xf32>
    %swap3A_993 = vector.shape_cast %select_n3A_987 : vector<24x1152xf32> to vector<24x1x1152xf32>
    tpu.vector_store %arg9[%swap3A_988, %swap3A_989, %swap3A_990], %swap3A_993 {strides = array<i32>} : memref<24x80x1152xf32, #tpu.memory_space<vmem>>, vector<24x1x1152xf32>,
    %jit3A_994 = arith.constant 0.000000e+00 : f32
    %broadcast_in_dim3A_995 = vector.shape_cast %eq3A_916 : vector<1x1152xi1> to vector<1x1152xi1>
    %broadcast_in_dim3A_996 = vector.broadcast %broadcast_in_dim3A_995 : vector<1x1152xi1> to vector<24x1152xi1>
    %broadcast_in_dim3A_997 = vector.broadcast %jit3A_994 : f32 to vector<24x1152xf32>
    %select_n3A_998 = arith.select %broadcast_in_dim3A_996, %mul3A_187, %broadcast_in_dim3A_997 : vector<24x1152xi1>, vector<24x1152xf32>
    %swap3A_999 = arith.constant 0 : index
    %swap3A_1000 = arith.constant 71 : index
    %swap3A_1001 = arith.constant 0 : index
    %swap3A_1002 = vector.load %arg9[%swap3A_999, %swap3A_1000, %swap3A_1001] : memref<24x80x1152xf32, #tpu.memory_space<vmem>>, vector<24x1x1152xf32>
    %swap3A_1003 = vector.shape_cast %swap3A_1002 : vector<24x1x1152xf32> to vector<24x1152xf32>
    %swap3A_1004 = vector.shape_cast %select_n3A_998 : vector<24x1152xf32> to vector<24x1x1152xf32>
    tpu.vector_store %arg9[%swap3A_999, %swap3A_1000, %swap3A_1001], %swap3A_1004 {strides = array<i32>} : memref<24x80x1152xf32, #tpu.memory_space<vmem>>, vector<24x1x1152xf32>,
    %eq3A_1005 = arith.constant 9 : i32
    %eq3A_1006 = vector.broadcast %eq3A_1005 : i32 to vector<1x1152xi32>
    %eq3A_1007 = arith.cmpi eq, %add3A_116, %eq3A_1006 : vector<1x1152xi32>
    %jit3A_1008 = arith.constant 0.000000e+00 : f32
    %broadcast_in_dim3A_1009 = vector.shape_cast %eq3A_1007 : vector<1x1152xi1> to vector<1x1152xi1>
    %broadcast_in_dim3A_1010 = vector.broadcast %broadcast_in_dim3A_1009 : vector<1x1152xi1> to vector<24x1152xi1>
    %broadcast_in_dim3A_1011 = vector.broadcast %jit3A_1008 : f32 to vector<24x1152xf32>
    %select_n3A_1012 = arith.select %broadcast_in_dim3A_1010, %mul3A_124, %broadcast_in_dim3A_1011 : vector<24x1152xi1>, vector<24x1152xf32>
    %swap3A_1013 = arith.constant 0 : index
    %swap3A_1014 = arith.constant 72 : index
    %swap3A_1015 = arith.constant 0 : index
    %swap3A_1016 = vector.load %arg9[%swap3A_1013, %swap3A_1014, %swap3A_1015] : memref<24x80x1152xf32, #tpu.memory_space<vmem>>, vector<24x1x1152xf32>
    %swap3A_1017 = vector.shape_cast %swap3A_1016 : vector<24x1x1152xf32> to vector<24x1152xf32>
    %swap3A_1018 = vector.shape_cast %select_n3A_1012 : vector<24x1152xf32> to vector<24x1x1152xf32>
    tpu.vector_store %arg9[%swap3A_1013, %swap3A_1014, %swap3A_1015], %swap3A_1018 {strides = array<i32>} : memref<24x80x1152xf32, #tpu.memory_space<vmem>>, vector<24x1x1152xf32>,
    %jit3A_1019 = arith.constant 0.000000e+00 : f32
    %broadcast_in_dim3A_1020 = vector.shape_cast %eq3A_1007 : vector<1x1152xi1> to vector<1x1152xi1>
    %broadcast_in_dim3A_1021 = vector.broadcast %broadcast_in_dim3A_1020 : vector<1x1152xi1> to vector<24x1152xi1>
    %broadcast_in_dim3A_1022 = vector.broadcast %jit3A_1019 : f32 to vector<24x1152xf32>
    %select_n3A_1023 = arith.select %broadcast_in_dim3A_1021, %mul3A_133, %broadcast_in_dim3A_1022 : vector<24x1152xi1>, vector<24x1152xf32>
    %swap3A_1024 = arith.constant 0 : index
    %swap3A_1025 = arith.constant 73 : index
    %swap3A_1026 = arith.constant 0 : index
    %swap3A_1027 = vector.load %arg9[%swap3A_1024, %swap3A_1025, %swap3A_1026] : memref<24x80x1152xf32, #tpu.memory_space<vmem>>, vector<24x1x1152xf32>
    %swap3A_1028 = vector.shape_cast %swap3A_1027 : vector<24x1x1152xf32> to vector<24x1152xf32>
    %swap3A_1029 = vector.shape_cast %select_n3A_1023 : vector<24x1152xf32> to vector<24x1x1152xf32>
    tpu.vector_store %arg9[%swap3A_1024, %swap3A_1025, %swap3A_1026], %swap3A_1029 {strides = array<i32>} : memref<24x80x1152xf32, #tpu.memory_space<vmem>>, vector<24x1x1152xf32>,
    %jit3A_1030 = arith.constant 0.000000e+00 : f32
    %broadcast_in_dim3A_1031 = vector.shape_cast %eq3A_1007 : vector<1x1152xi1> to vector<1x1152xi1>
    %broadcast_in_dim3A_1032 = vector.broadcast %broadcast_in_dim3A_1031 : vector<1x1152xi1> to vector<24x1152xi1>
    %broadcast_in_dim3A_1033 = vector.broadcast %jit3A_1030 : f32 to vector<24x1152xf32>
    %select_n3A_1034 = arith.select %broadcast_in_dim3A_1032, %mul3A_142, %broadcast_in_dim3A_1033 : vector<24x1152xi1>, vector<24x1152xf32>
    %swap3A_1035 = arith.constant 0 : index
    %swap3A_1036 = arith.constant 74 : index
    %swap3A_1037 = arith.constant 0 : index
    %swap3A_1038 = vector.load %arg9[%swap3A_1035, %swap3A_1036, %swap3A_1037] : memref<24x80x1152xf32, #tpu.memory_space<vmem>>, vector<24x1x1152xf32>
    %swap3A_1039 = vector.shape_cast %swap3A_1038 : vector<24x1x1152xf32> to vector<24x1152xf32>
    %swap3A_1040 = vector.shape_cast %select_n3A_1034 : vector<24x1152xf32> to vector<24x1x1152xf32>
    tpu.vector_store %arg9[%swap3A_1035, %swap3A_1036, %swap3A_1037], %swap3A_1040 {strides = array<i32>} : memref<24x80x1152xf32, #tpu.memory_space<vmem>>, vector<24x1x1152xf32>,
    %jit3A_1041 = arith.constant 0.000000e+00 : f32
    %broadcast_in_dim3A_1042 = vector.shape_cast %eq3A_1007 : vector<1x1152xi1> to vector<1x1152xi1>
    %broadcast_in_dim3A_1043 = vector.broadcast %broadcast_in_dim3A_1042 : vector<1x1152xi1> to vector<24x1152xi1>
    %broadcast_in_dim3A_1044 = vector.broadcast %jit3A_1041 : f32 to vector<24x1152xf32>
    %select_n3A_1045 = arith.select %broadcast_in_dim3A_1043, %mul3A_151, %broadcast_in_dim3A_1044 : vector<24x1152xi1>, vector<24x1152xf32>
    %swap3A_1046 = arith.constant 0 : index
    %swap3A_1047 = arith.constant 75 : index
    %swap3A_1048 = arith.constant 0 : index
    %swap3A_1049 = vector.load %arg9[%swap3A_1046, %swap3A_1047, %swap3A_1048] : memref<24x80x1152xf32, #tpu.memory_space<vmem>>, vector<24x1x1152xf32>
    %swap3A_1050 = vector.shape_cast %swap3A_1049 : vector<24x1x1152xf32> to vector<24x1152xf32>
    %swap3A_1051 = vector.shape_cast %select_n3A_1045 : vector<24x1152xf32> to vector<24x1x1152xf32>
    tpu.vector_store %arg9[%swap3A_1046, %swap3A_1047, %swap3A_1048], %swap3A_1051 {strides = array<i32>} : memref<24x80x1152xf32, #tpu.memory_space<vmem>>, vector<24x1x1152xf32>,
    %jit3A_1052 = arith.constant 0.000000e+00 : f32
    %broadcast_in_dim3A_1053 = vector.shape_cast %eq3A_1007 : vector<1x1152xi1> to vector<1x1152xi1>
    %broadcast_in_dim3A_1054 = vector.broadcast %broadcast_in_dim3A_1053 : vector<1x1152xi1> to vector<24x1152xi1>
    %broadcast_in_dim3A_1055 = vector.broadcast %jit3A_1052 : f32 to vector<24x1152xf32>
    %select_n3A_1056 = arith.select %broadcast_in_dim3A_1054, %mul3A_160, %broadcast_in_dim3A_1055 : vector<24x1152xi1>, vector<24x1152xf32>
    %swap3A_1057 = arith.constant 0 : index
    %swap3A_1058 = arith.constant 76 : index
    %swap3A_1059 = arith.constant 0 : index
    %swap3A_1060 = vector.load %arg9[%swap3A_1057, %swap3A_1058, %swap3A_1059] : memref<24x80x1152xf32, #tpu.memory_space<vmem>>, vector<24x1x1152xf32>
    %swap3A_1061 = vector.shape_cast %swap3A_1060 : vector<24x1x1152xf32> to vector<24x1152xf32>
    %swap3A_1062 = vector.shape_cast %select_n3A_1056 : vector<24x1152xf32> to vector<24x1x1152xf32>
    tpu.vector_store %arg9[%swap3A_1057, %swap3A_1058, %swap3A_1059], %swap3A_1062 {strides = array<i32>} : memref<24x80x1152xf32, #tpu.memory_space<vmem>>, vector<24x1x1152xf32>,
    %jit3A_1063 = arith.constant 0.000000e+00 : f32
    %broadcast_in_dim3A_1064 = vector.shape_cast %eq3A_1007 : vector<1x1152xi1> to vector<1x1152xi1>
    %broadcast_in_dim3A_1065 = vector.broadcast %broadcast_in_dim3A_1064 : vector<1x1152xi1> to vector<24x1152xi1>
    %broadcast_in_dim3A_1066 = vector.broadcast %jit3A_1063 : f32 to vector<24x1152xf32>
    %select_n3A_1067 = arith.select %broadcast_in_dim3A_1065, %mul3A_169, %broadcast_in_dim3A_1066 : vector<24x1152xi1>, vector<24x1152xf32>
    %swap3A_1068 = arith.constant 0 : index
    %swap3A_1069 = arith.constant 77 : index
    %swap3A_1070 = arith.constant 0 : index
    %swap3A_1071 = vector.load %arg9[%swap3A_1068, %swap3A_1069, %swap3A_1070] : memref<24x80x1152xf32, #tpu.memory_space<vmem>>, vector<24x1x1152xf32>
    %swap3A_1072 = vector.shape_cast %swap3A_1071 : vector<24x1x1152xf32> to vector<24x1152xf32>
    %swap3A_1073 = vector.shape_cast %select_n3A_1067 : vector<24x1152xf32> to vector<24x1x1152xf32>
    tpu.vector_store %arg9[%swap3A_1068, %swap3A_1069, %swap3A_1070], %swap3A_1073 {strides = array<i32>} : memref<24x80x1152xf32, #tpu.memory_space<vmem>>, vector<24x1x1152xf32>,
    %jit3A_1074 = arith.constant 0.000000e+00 : f32
    %broadcast_in_dim3A_1075 = vector.shape_cast %eq3A_1007 : vector<1x1152xi1> to vector<1x1152xi1>
    %broadcast_in_dim3A_1076 = vector.broadcast %broadcast_in_dim3A_1075 : vector<1x1152xi1> to vector<24x1152xi1>
    %broadcast_in_dim3A_1077 = vector.broadcast %jit3A_1074 : f32 to vector<24x1152xf32>
    %select_n3A_1078 = arith.select %broadcast_in_dim3A_1076, %mul3A_178, %broadcast_in_dim3A_1077 : vector<24x1152xi1>, vector<24x1152xf32>
    %swap3A_1079 = arith.constant 0 : index
    %swap3A_1080 = arith.constant 78 : index
    %swap3A_1081 = arith.constant 0 : index
    %swap3A_1082 = vector.load %arg9[%swap3A_1079, %swap3A_1080, %swap3A_1081] : memref<24x80x1152xf32, #tpu.memory_space<vmem>>, vector<24x1x1152xf32>
    %swap3A_1083 = vector.shape_cast %swap3A_1082 : vector<24x1x1152xf32> to vector<24x1152xf32>
    %swap3A_1084 = vector.shape_cast %select_n3A_1078 : vector<24x1152xf32> to vector<24x1x1152xf32>
    tpu.vector_store %arg9[%swap3A_1079, %swap3A_1080, %swap3A_1081], %swap3A_1084 {strides = array<i32>} : memref<24x80x1152xf32, #tpu.memory_space<vmem>>, vector<24x1x1152xf32>,
    %jit3A_1085 = arith.constant 0.000000e+00 : f32
    %broadcast_in_dim3A_1086 = vector.shape_cast %eq3A_1007 : vector<1x1152xi1> to vector<1x1152xi1>
    %broadcast_in_dim3A_1087 = vector.broadcast %broadcast_in_dim3A_1086 : vector<1x1152xi1> to vector<24x1152xi1>
    %broadcast_in_dim3A_1088 = vector.broadcast %jit3A_1085 : f32 to vector<24x1152xf32>
    %select_n3A_1089 = arith.select %broadcast_in_dim3A_1087, %mul3A_187, %broadcast_in_dim3A_1088 : vector<24x1152xi1>, vector<24x1152xf32>
    %swap3A_1090 = arith.constant 0 : index
    %swap3A_1091 = arith.constant 79 : index
    %swap3A_1092 = arith.constant 0 : index
    %swap3A_1093 = vector.load %arg9[%swap3A_1090, %swap3A_1091, %swap3A_1092] : memref<24x80x1152xf32, #tpu.memory_space<vmem>>, vector<24x1x1152xf32>
    %swap3A_1094 = vector.shape_cast %swap3A_1093 : vector<24x1x1152xf32> to vector<24x1152xf32>
    %swap3A_1095 = vector.shape_cast %select_n3A_1089 : vector<24x1152xf32> to vector<24x1x1152xf32>
    tpu.vector_store %arg9[%swap3A_1090, %swap3A_1091, %swap3A_1092], %swap3A_1095 {strides = array<i32>} : memref<24x80x1152xf32, #tpu.memory_space<vmem>>, vector<24x1x1152xf32>,
    %mul3A_1096 = arith.constant 0.490392655 : f32
    %mul3A_1097 = vector.broadcast %mul3A_1096 : f32 to vector<24x1152xf32>
    %mul3A_1098 = arith.mulf %mul3A_69, %mul3A_1097 : vector<24x1152xf32>
    %add3A_1099 = arith.constant 5.000000e-01 : f32
    %add3A_1100 = vector.broadcast %add3A_1099 : f32 to vector<24x1152xf32>
    %add3A_1101 = arith.addf %add3A_1100, %mul3A_1098 : vector<24x1152xf32>
    %mul3A_1102 = arith.constant 0.0975451618 : f32
    %mul3A_1103 = vector.broadcast %mul3A_1102 : f32 to vector<24x1152xf32>
    %mul3A_1104 = arith.mulf %sqrt3A, %mul3A_1103 : vector<24x1152xf32>
    %add3A_1105 = arith.addf %add3A_1101, %mul3A_1104 : vector<24x1152xf32>
    %mul3A_1106 = arith.mulf %add3A_1105, %add3A_1105 : vector<24x1152xf32>
    %mul3A_1107 = arith.mulf %mul3A_1106, %mul3A_1106 : vector<24x1152xf32>
    %mul3A_1108 = arith.mulf %mul3A_1107, %mul3A_1107 : vector<24x1152xf32>
    %mul3A_1109 = arith.mulf %mul3A_1108, %mul3A_1108 : vector<24x1152xf32>
    %swap3A_1110 = arith.constant 0 : index
    %swap3A_1111 = arith.constant 0 : index
    %swap3A_1112 = arith.constant 0 : index
    %swap3A_1113 = vector.load %arg10[%swap3A_1110, %swap3A_1111, %swap3A_1112] : memref<24x16x1152xf32, #tpu.memory_space<vmem>>, vector<24x1x1152xf32>
    %swap3A_1114 = vector.shape_cast %swap3A_1113 : vector<24x1x1152xf32> to vector<24x1152xf32>
    %swap3A_1115 = vector.shape_cast %mul3A_1108 : vector<24x1152xf32> to vector<24x1x1152xf32>
    tpu.vector_store %arg10[%swap3A_1110, %swap3A_1111, %swap3A_1112], %swap3A_1115 {strides = array<i32>} : memref<24x16x1152xf32, #tpu.memory_space<vmem>>, vector<24x1x1152xf32>,
    %mul3A_1116 = arith.mulf %mul3A_1109, %mul3A_1109 : vector<24x1152xf32>
    %swap3A_1117 = arith.constant 0 : index
    %swap3A_1118 = arith.constant 8 : index
    %swap3A_1119 = arith.constant 0 : index
    %swap3A_1120 = vector.load %arg10[%swap3A_1117, %swap3A_1118, %swap3A_1119] : memref<24x16x1152xf32, #tpu.memory_space<vmem>>, vector<24x1x1152xf32>
    %swap3A_1121 = vector.shape_cast %swap3A_1120 : vector<24x1x1152xf32> to vector<24x1152xf32>
    %swap3A_1122 = vector.shape_cast %mul3A_1116 : vector<24x1152xf32> to vector<24x1x1152xf32>
    tpu.vector_store %arg10[%swap3A_1117, %swap3A_1118, %swap3A_1119], %swap3A_1122 {strides = array<i32>} : memref<24x16x1152xf32, #tpu.memory_space<vmem>>, vector<24x1x1152xf32>,
    %mul3A_1123 = arith.constant 0.415734798 : f32
    %mul3A_1124 = vector.broadcast %mul3A_1123 : f32 to vector<24x1152xf32>
    %mul3A_1125 = arith.mulf %mul3A_69, %mul3A_1124 : vector<24x1152xf32>
    %add3A_1126 = arith.constant 5.000000e-01 : f32
    %add3A_1127 = vector.broadcast %add3A_1126 : f32 to vector<24x1152xf32>
    %add3A_1128 = arith.addf %add3A_1127, %mul3A_1125 : vector<24x1152xf32>
    %mul3A_1129 = arith.constant 0.277785122 : f32
    %mul3A_1130 = vector.broadcast %mul3A_1129 : f32 to vector<24x1152xf32>
    %mul3A_1131 = arith.mulf %sqrt3A, %mul3A_1130 : vector<24x1152xf32>
    %add3A_1132 = arith.addf %add3A_1128, %mul3A_1131 : vector<24x1152xf32>
    %mul3A_1133 = arith.mulf %add3A_1132, %add3A_1132 : vector<24x1152xf32>
    %mul3A_1134 = arith.mulf %mul3A_1133, %mul3A_1133 : vector<24x1152xf32>
    %mul3A_1135 = arith.mulf %mul3A_1134, %mul3A_1134 : vector<24x1152xf32>
    %mul3A_1136 = arith.mulf %mul3A_1135, %mul3A_1135 : vector<24x1152xf32>
    %swap3A_1137 = arith.constant 0 : index
    %swap3A_1138 = arith.constant 1 : index
    %swap3A_1139 = arith.constant 0 : index
    %swap3A_1140 = vector.load %arg10[%swap3A_1137, %swap3A_1138, %swap3A_1139] : memref<24x16x1152xf32, #tpu.memory_space<vmem>>, vector<24x1x1152xf32>
    %swap3A_1141 = vector.shape_cast %swap3A_1140 : vector<24x1x1152xf32> to vector<24x1152xf32>
    %swap3A_1142 = vector.shape_cast %mul3A_1135 : vector<24x1152xf32> to vector<24x1x1152xf32>
    tpu.vector_store %arg10[%swap3A_1137, %swap3A_1138, %swap3A_1139], %swap3A_1142 {strides = array<i32>} : memref<24x16x1152xf32, #tpu.memory_space<vmem>>, vector<24x1x1152xf32>,
    %mul3A_1143 = arith.mulf %mul3A_1136, %mul3A_1136 : vector<24x1152xf32>
    %swap3A_1144 = arith.constant 0 : index
    %swap3A_1145 = arith.constant 9 : index
    %swap3A_1146 = arith.constant 0 : index
    %swap3A_1147 = vector.load %arg10[%swap3A_1144, %swap3A_1145, %swap3A_1146] : memref<24x16x1152xf32, #tpu.memory_space<vmem>>, vector<24x1x1152xf32>
    %swap3A_1148 = vector.shape_cast %swap3A_1147 : vector<24x1x1152xf32> to vector<24x1152xf32>
    %swap3A_1149 = vector.shape_cast %mul3A_1143 : vector<24x1152xf32> to vector<24x1x1152xf32>
    tpu.vector_store %arg10[%swap3A_1144, %swap3A_1145, %swap3A_1146], %swap3A_1149 {strides = array<i32>} : memref<24x16x1152xf32, #tpu.memory_space<vmem>>, vector<24x1x1152xf32>,
    %mul3A_1150 = arith.constant 0.277785122 : f32
    %mul3A_1151 = vector.broadcast %mul3A_1150 : f32 to vector<24x1152xf32>
    %mul3A_1152 = arith.mulf %mul3A_69, %mul3A_1151 : vector<24x1152xf32>
    %add3A_1153 = arith.constant 5.000000e-01 : f32
    %add3A_1154 = vector.broadcast %add3A_1153 : f32 to vector<24x1152xf32>
    %add3A_1155 = arith.addf %add3A_1154, %mul3A_1152 : vector<24x1152xf32>
    %mul3A_1156 = arith.constant 0.415734798 : f32
    %mul3A_1157 = vector.broadcast %mul3A_1156 : f32 to vector<24x1152xf32>
    %mul3A_1158 = arith.mulf %sqrt3A, %mul3A_1157 : vector<24x1152xf32>
    %add3A_1159 = arith.addf %add3A_1155, %mul3A_1158 : vector<24x1152xf32>
    %mul3A_1160 = arith.mulf %add3A_1159, %add3A_1159 : vector<24x1152xf32>
    %mul3A_1161 = arith.mulf %mul3A_1160, %mul3A_1160 : vector<24x1152xf32>
    %mul3A_1162 = arith.mulf %mul3A_1161, %mul3A_1161 : vector<24x1152xf32>
    %mul3A_1163 = arith.mulf %mul3A_1162, %mul3A_1162 : vector<24x1152xf32>
    %swap3A_1164 = arith.constant 0 : index
    %swap3A_1165 = arith.constant 2 : index
    %swap3A_1166 = arith.constant 0 : index
    %swap3A_1167 = vector.load %arg10[%swap3A_1164, %swap3A_1165, %swap3A_1166] : memref<24x16x1152xf32, #tpu.memory_space<vmem>>, vector<24x1x1152xf32>
    %swap3A_1168 = vector.shape_cast %swap3A_1167 : vector<24x1x1152xf32> to vector<24x1152xf32>
    %swap3A_1169 = vector.shape_cast %mul3A_1162 : vector<24x1152xf32> to vector<24x1x1152xf32>
    tpu.vector_store %arg10[%swap3A_1164, %swap3A_1165, %swap3A_1166], %swap3A_1169 {strides = array<i32>} : memref<24x16x1152xf32, #tpu.memory_space<vmem>>, vector<24x1x1152xf32>,
    %mul3A_1170 = arith.mulf %mul3A_1163, %mul3A_1163 : vector<24x1152xf32>
    %swap3A_1171 = arith.constant 0 : index
    %swap3A_1172 = arith.constant 10 : index
    %swap3A_1173 = arith.constant 0 : index
    %swap3A_1174 = vector.load %arg10[%swap3A_1171, %swap3A_1172, %swap3A_1173] : memref<24x16x1152xf32, #tpu.memory_space<vmem>>, vector<24x1x1152xf32>
    %swap3A_1175 = vector.shape_cast %swap3A_1174 : vector<24x1x1152xf32> to vector<24x1152xf32>
    %swap3A_1176 = vector.shape_cast %mul3A_1170 : vector<24x1152xf32> to vector<24x1x1152xf32>
    tpu.vector_store %arg10[%swap3A_1171, %swap3A_1172, %swap3A_1173], %swap3A_1176 {strides = array<i32>} : memref<24x16x1152xf32, #tpu.memory_space<vmem>>, vector<24x1x1152xf32>,
    %mul3A_1177 = arith.constant 0.0975451618 : f32
    %mul3A_1178 = vector.broadcast %mul3A_1177 : f32 to vector<24x1152xf32>
    %mul3A_1179 = arith.mulf %mul3A_69, %mul3A_1178 : vector<24x1152xf32>
    %add3A_1180 = arith.constant 5.000000e-01 : f32
    %add3A_1181 = vector.broadcast %add3A_1180 : f32 to vector<24x1152xf32>
    %add3A_1182 = arith.addf %add3A_1181, %mul3A_1179 : vector<24x1152xf32>
    %mul3A_1183 = arith.constant 0.490392655 : f32
    %mul3A_1184 = vector.broadcast %mul3A_1183 : f32 to vector<24x1152xf32>
    %mul3A_1185 = arith.mulf %sqrt3A, %mul3A_1184 : vector<24x1152xf32>
    %add3A_1186 = arith.addf %add3A_1182, %mul3A_1185 : vector<24x1152xf32>
    %mul3A_1187 = arith.mulf %add3A_1186, %add3A_1186 : vector<24x1152xf32>
    %mul3A_1188 = arith.mulf %mul3A_1187, %mul3A_1187 : vector<24x1152xf32>
    %mul3A_1189 = arith.mulf %mul3A_1188, %mul3A_1188 : vector<24x1152xf32>
    %mul3A_1190 = arith.mulf %mul3A_1189, %mul3A_1189 : vector<24x1152xf32>
    %swap3A_1191 = arith.constant 0 : index
    %swap3A_1192 = arith.constant 3 : index
    %swap3A_1193 = arith.constant 0 : index
    %swap3A_1194 = vector.load %arg10[%swap3A_1191, %swap3A_1192, %swap3A_1193] : memref<24x16x1152xf32, #tpu.memory_space<vmem>>, vector<24x1x1152xf32>
    %swap3A_1195 = vector.shape_cast %swap3A_1194 : vector<24x1x1152xf32> to vector<24x1152xf32>
    %swap3A_1196 = vector.shape_cast %mul3A_1189 : vector<24x1152xf32> to vector<24x1x1152xf32>
    tpu.vector_store %arg10[%swap3A_1191, %swap3A_1192, %swap3A_1193], %swap3A_1196 {strides = array<i32>} : memref<24x16x1152xf32, #tpu.memory_space<vmem>>, vector<24x1x1152xf32>,
    %mul3A_1197 = arith.mulf %mul3A_1190, %mul3A_1190 : vector<24x1152xf32>
    %swap3A_1198 = arith.constant 0 : index
    %swap3A_1199 = arith.constant 11 : index
    %swap3A_1200 = arith.constant 0 : index
    %swap3A_1201 = vector.load %arg10[%swap3A_1198, %swap3A_1199, %swap3A_1200] : memref<24x16x1152xf32, #tpu.memory_space<vmem>>, vector<24x1x1152xf32>
    %swap3A_1202 = vector.shape_cast %swap3A_1201 : vector<24x1x1152xf32> to vector<24x1152xf32>
    %swap3A_1203 = vector.shape_cast %mul3A_1197 : vector<24x1152xf32> to vector<24x1x1152xf32>
    tpu.vector_store %arg10[%swap3A_1198, %swap3A_1199, %swap3A_1200], %swap3A_1203 {strides = array<i32>} : memref<24x16x1152xf32, #tpu.memory_space<vmem>>, vector<24x1x1152xf32>,
    %mul3A_1204 = arith.constant -0.0975451618 : f32
    %mul3A_1205 = vector.broadcast %mul3A_1204 : f32 to vector<24x1152xf32>
    %mul3A_1206 = arith.mulf %mul3A_69, %mul3A_1205 : vector<24x1152xf32>
    %add3A_1207 = arith.constant 5.000000e-01 : f32
    %add3A_1208 = vector.broadcast %add3A_1207 : f32 to vector<24x1152xf32>
    %add3A_1209 = arith.addf %add3A_1208, %mul3A_1206 : vector<24x1152xf32>
    %mul3A_1210 = arith.constant 0.490392625 : f32
    %mul3A_1211 = vector.broadcast %mul3A_1210 : f32 to vector<24x1152xf32>
    %mul3A_1212 = arith.mulf %sqrt3A, %mul3A_1211 : vector<24x1152xf32>
    %add3A_1213 = arith.addf %add3A_1209, %mul3A_1212 : vector<24x1152xf32>
    %mul3A_1214 = arith.mulf %add3A_1213, %add3A_1213 : vector<24x1152xf32>
    %mul3A_1215 = arith.mulf %mul3A_1214, %mul3A_1214 : vector<24x1152xf32>
    %mul3A_1216 = arith.mulf %mul3A_1215, %mul3A_1215 : vector<24x1152xf32>
    %mul3A_1217 = arith.mulf %mul3A_1216, %mul3A_1216 : vector<24x1152xf32>
    %swap3A_1218 = arith.constant 0 : index
    %swap3A_1219 = arith.constant 4 : index
    %swap3A_1220 = arith.constant 0 : index
    %swap3A_1221 = vector.load %arg10[%swap3A_1218, %swap3A_1219, %swap3A_1220] : memref<24x16x1152xf32, #tpu.memory_space<vmem>>, vector<24x1x1152xf32>
    %swap3A_1222 = vector.shape_cast %swap3A_1221 : vector<24x1x1152xf32> to vector<24x1152xf32>
    %swap3A_1223 = vector.shape_cast %mul3A_1216 : vector<24x1152xf32> to vector<24x1x1152xf32>
    tpu.vector_store %arg10[%swap3A_1218, %swap3A_1219, %swap3A_1220], %swap3A_1223 {strides = array<i32>} : memref<24x16x1152xf32, #tpu.memory_space<vmem>>, vector<24x1x1152xf32>,
    %mul3A_1224 = arith.mulf %mul3A_1217, %mul3A_1217 : vector<24x1152xf32>
    %swap3A_1225 = arith.constant 0 : index
    %swap3A_1226 = arith.constant 12 : index
    %swap3A_1227 = arith.constant 0 : index
    %swap3A_1228 = vector.load %arg10[%swap3A_1225, %swap3A_1226, %swap3A_1227] : memref<24x16x1152xf32, #tpu.memory_space<vmem>>, vector<24x1x1152xf32>
    %swap3A_1229 = vector.shape_cast %swap3A_1228 : vector<24x1x1152xf32> to vector<24x1152xf32>
    %swap3A_1230 = vector.shape_cast %mul3A_1224 : vector<24x1152xf32> to vector<24x1x1152xf32>
    tpu.vector_store %arg10[%swap3A_1225, %swap3A_1226, %swap3A_1227], %swap3A_1230 {strides = array<i32>} : memref<24x16x1152xf32, #tpu.memory_space<vmem>>, vector<24x1x1152xf32>,
    %mul3A_1231 = arith.constant -0.277785122 : f32
    %mul3A_1232 = vector.broadcast %mul3A_1231 : f32 to vector<24x1152xf32>
    %mul3A_1233 = arith.mulf %mul3A_69, %mul3A_1232 : vector<24x1152xf32>
    %add3A_1234 = arith.constant 5.000000e-01 : f32
    %add3A_1235 = vector.broadcast %add3A_1234 : f32 to vector<24x1152xf32>
    %add3A_1236 = arith.addf %add3A_1235, %mul3A_1233 : vector<24x1152xf32>
    %mul3A_1237 = arith.constant 0.415734798 : f32
    %mul3A_1238 = vector.broadcast %mul3A_1237 : f32 to vector<24x1152xf32>
    %mul3A_1239 = arith.mulf %sqrt3A, %mul3A_1238 : vector<24x1152xf32>
    %add3A_1240 = arith.addf %add3A_1236, %mul3A_1239 : vector<24x1152xf32>
    %mul3A_1241 = arith.mulf %add3A_1240, %add3A_1240 : vector<24x1152xf32>
    %mul3A_1242 = arith.mulf %mul3A_1241, %mul3A_1241 : vector<24x1152xf32>
    %mul3A_1243 = arith.mulf %mul3A_1242, %mul3A_1242 : vector<24x1152xf32>
    %mul3A_1244 = arith.mulf %mul3A_1243, %mul3A_1243 : vector<24x1152xf32>
    %swap3A_1245 = arith.constant 0 : index
    %swap3A_1246 = arith.constant 5 : index
    %swap3A_1247 = arith.constant 0 : index
    %swap3A_1248 = vector.load %arg10[%swap3A_1245, %swap3A_1246, %swap3A_1247] : memref<24x16x1152xf32, #tpu.memory_space<vmem>>, vector<24x1x1152xf32>
    %swap3A_1249 = vector.shape_cast %swap3A_1248 : vector<24x1x1152xf32> to vector<24x1152xf32>
    %swap3A_1250 = vector.shape_cast %mul3A_1243 : vector<24x1152xf32> to vector<24x1x1152xf32>
    tpu.vector_store %arg10[%swap3A_1245, %swap3A_1246, %swap3A_1247], %swap3A_1250 {strides = array<i32>} : memref<24x16x1152xf32, #tpu.memory_space<vmem>>, vector<24x1x1152xf32>,
    %mul3A_1251 = arith.mulf %mul3A_1244, %mul3A_1244 : vector<24x1152xf32>
    %swap3A_1252 = arith.constant 0 : index
    %swap3A_1253 = arith.constant 13 : index
    %swap3A_1254 = arith.constant 0 : index
    %swap3A_1255 = vector.load %arg10[%swap3A_1252, %swap3A_1253, %swap3A_1254] : memref<24x16x1152xf32, #tpu.memory_space<vmem>>, vector<24x1x1152xf32>
    %swap3A_1256 = vector.shape_cast %swap3A_1255 : vector<24x1x1152xf32> to vector<24x1152xf32>
    %swap3A_1257 = vector.shape_cast %mul3A_1251 : vector<24x1152xf32> to vector<24x1x1152xf32>
    tpu.vector_store %arg10[%swap3A_1252, %swap3A_1253, %swap3A_1254], %swap3A_1257 {strides = array<i32>} : memref<24x16x1152xf32, #tpu.memory_space<vmem>>, vector<24x1x1152xf32>,
    %mul3A_1258 = arith.constant -0.415734798 : f32
    %mul3A_1259 = vector.broadcast %mul3A_1258 : f32 to vector<24x1152xf32>
    %mul3A_1260 = arith.mulf %mul3A_69, %mul3A_1259 : vector<24x1152xf32>
    %add3A_1261 = arith.constant 5.000000e-01 : f32
    %add3A_1262 = vector.broadcast %add3A_1261 : f32 to vector<24x1152xf32>
    %add3A_1263 = arith.addf %add3A_1262, %mul3A_1260 : vector<24x1152xf32>
    %mul3A_1264 = arith.constant 0.277785122 : f32
    %mul3A_1265 = vector.broadcast %mul3A_1264 : f32 to vector<24x1152xf32>
    %mul3A_1266 = arith.mulf %sqrt3A, %mul3A_1265 : vector<24x1152xf32>
    %add3A_1267 = arith.addf %add3A_1263, %mul3A_1266 : vector<24x1152xf32>
    %mul3A_1268 = arith.mulf %add3A_1267, %add3A_1267 : vector<24x1152xf32>
    %mul3A_1269 = arith.mulf %mul3A_1268, %mul3A_1268 : vector<24x1152xf32>
    %mul3A_1270 = arith.mulf %mul3A_1269, %mul3A_1269 : vector<24x1152xf32>
    %mul3A_1271 = arith.mulf %mul3A_1270, %mul3A_1270 : vector<24x1152xf32>
    %swap3A_1272 = arith.constant 0 : index
    %swap3A_1273 = arith.constant 6 : index
    %swap3A_1274 = arith.constant 0 : index
    %swap3A_1275 = vector.load %arg10[%swap3A_1272, %swap3A_1273, %swap3A_1274] : memref<24x16x1152xf32, #tpu.memory_space<vmem>>, vector<24x1x1152xf32>
    %swap3A_1276 = vector.shape_cast %swap3A_1275 : vector<24x1x1152xf32> to vector<24x1152xf32>
    %swap3A_1277 = vector.shape_cast %mul3A_1270 : vector<24x1152xf32> to vector<24x1x1152xf32>
    tpu.vector_store %arg10[%swap3A_1272, %swap3A_1273, %swap3A_1274], %swap3A_1277 {strides = array<i32>} : memref<24x16x1152xf32, #tpu.memory_space<vmem>>, vector<24x1x1152xf32>,
    %mul3A_1278 = arith.mulf %mul3A_1271, %mul3A_1271 : vector<24x1152xf32>
    %swap3A_1279 = arith.constant 0 : index
    %swap3A_1280 = arith.constant 14 : index
    %swap3A_1281 = arith.constant 0 : index
    %swap3A_1282 = vector.load %arg10[%swap3A_1279, %swap3A_1280, %swap3A_1281] : memref<24x16x1152xf32, #tpu.memory_space<vmem>>, vector<24x1x1152xf32>
    %swap3A_1283 = vector.shape_cast %swap3A_1282 : vector<24x1x1152xf32> to vector<24x1152xf32>
    %swap3A_1284 = vector.shape_cast %mul3A_1278 : vector<24x1152xf32> to vector<24x1x1152xf32>
    tpu.vector_store %arg10[%swap3A_1279, %swap3A_1280, %swap3A_1281], %swap3A_1284 {strides = array<i32>} : memref<24x16x1152xf32, #tpu.memory_space<vmem>>, vector<24x1x1152xf32>,
    %mul3A_1285 = arith.constant -0.490392625 : f32
    %mul3A_1286 = vector.broadcast %mul3A_1285 : f32 to vector<24x1152xf32>
    %mul3A_1287 = arith.mulf %mul3A_69, %mul3A_1286 : vector<24x1152xf32>
    %add3A_1288 = arith.constant 5.000000e-01 : f32
    %add3A_1289 = vector.broadcast %add3A_1288 : f32 to vector<24x1152xf32>
    %add3A_1290 = arith.addf %add3A_1289, %mul3A_1287 : vector<24x1152xf32>
    %mul3A_1291 = arith.constant 0.0975451618 : f32
    %mul3A_1292 = vector.broadcast %mul3A_1291 : f32 to vector<24x1152xf32>
    %mul3A_1293 = arith.mulf %sqrt3A, %mul3A_1292 : vector<24x1152xf32>
    %add3A_1294 = arith.addf %add3A_1290, %mul3A_1293 : vector<24x1152xf32>
    %mul3A_1295 = arith.mulf %add3A_1294, %add3A_1294 : vector<24x1152xf32>
    %mul3A_1296 = arith.mulf %mul3A_1295, %mul3A_1295 : vector<24x1152xf32>
    %mul3A_1297 = arith.mulf %mul3A_1296, %mul3A_1296 : vector<24x1152xf32>
    %mul3A_1298 = arith.mulf %mul3A_1297, %mul3A_1297 : vector<24x1152xf32>
    %swap3A_1299 = arith.constant 0 : index
    %swap3A_1300 = arith.constant 7 : index
    %swap3A_1301 = arith.constant 0 : index
    %swap3A_1302 = vector.load %arg10[%swap3A_1299, %swap3A_1300, %swap3A_1301] : memref<24x16x1152xf32, #tpu.memory_space<vmem>>, vector<24x1x1152xf32>
    %swap3A_1303 = vector.shape_cast %swap3A_1302 : vector<24x1x1152xf32> to vector<24x1152xf32>
    %swap3A_1304 = vector.shape_cast %mul3A_1297 : vector<24x1152xf32> to vector<24x1x1152xf32>
    tpu.vector_store %arg10[%swap3A_1299, %swap3A_1300, %swap3A_1301], %swap3A_1304 {strides = array<i32>} : memref<24x16x1152xf32, #tpu.memory_space<vmem>>, vector<24x1x1152xf32>,
    %mul3A_1305 = arith.mulf %mul3A_1298, %mul3A_1298 : vector<24x1152xf32>
    %swap3A_1306 = arith.constant 0 : index
    %swap3A_1307 = arith.constant 15 : index
    %swap3A_1308 = arith.constant 0 : index
    %swap3A_1309 = vector.load %arg10[%swap3A_1306, %swap3A_1307, %swap3A_1308] : memref<24x16x1152xf32, #tpu.memory_space<vmem>>, vector<24x1x1152xf32>
    %swap3A_1310 = vector.shape_cast %swap3A_1309 : vector<24x1x1152xf32> to vector<24x1152xf32>
    %swap3A_1311 = vector.shape_cast %mul3A_1305 : vector<24x1152xf32> to vector<24x1x1152xf32>
    tpu.vector_store %arg10[%swap3A_1306, %swap3A_1307, %swap3A_1308], %swap3A_1311 {strides = array<i32>} : memref<24x16x1152xf32, #tpu.memory_space<vmem>>, vector<24x1x1152xf32>,
    %scan3A = arith.constant 0 : i32
    %scan3A_1312 = arith.constant 24 : i32
    %scan3A_1313 = arith.addi %scan3A, %scan3A_1312 : i32
    %scan3A_1314 = arith.constant 1 : i32
    scf.for %scan3A_1316 = %scan3A to %scan3A_1313 step %scan3A_1314  : i32 {
      %get3A_1317 = arith.index_cast %scan3A_1316 : i32 to index
      %get3A_1318 = arith.constant 0 : index
      %get3A_1319 = arith.constant 0 : index
      %get3A_1320 = vector.load %arg9[%get3A_1317, %get3A_1318, %get3A_1319] : memref<24x80x1152xf32, #tpu.memory_space<vmem>>, vector<1x80x1152xf32>
      %get3A_1321 = vector.shape_cast %get3A_1320 : vector<1x80x1152xf32> to vector<80x1152xf32>
      %get3A_1322 = arith.index_cast %scan3A_1316 : i32 to index
      %get3A_1323 = arith.constant 0 : index
      %get3A_1324 = arith.constant 0 : index
      %get3A_1325 = vector.load %arg10[%get3A_1322, %get3A_1323, %get3A_1324] : memref<24x16x1152xf32, #tpu.memory_space<vmem>>, vector<1x16x1152xf32>
      %get3A_1326 = vector.shape_cast %get3A_1325 : vector<1x16x1152xf32> to vector<16x1152xf32>
      %dot_general3A = arith.constant dense<0.000000e+00> : vector<80x16xf32>
      %dot_general3A_1327 = tpu.matmul %get3A_1321, %get3A_1326, %dot_general3A {dimension_numbers = #tpu.dot_dimension_numbers<[1], [1], [0], [0], [0, 0, 1, 0], [], []>, transpose_lhs_hint = false} : vector<80x1152xf32>, vector<16x1152xf32>, vector<80x16xf32> -> vector<80x16xf32>
      %swap3A_1328 = arith.constant 0 : index
      %swap3A_1329 = arith.index_cast %scan3A_1316 : i32 to index
      %swap3A_1330 = arith.constant 0 : index
      %swap3A_1331 = arith.constant 0 : index
      %swap3A_1332 = vector.load %arg8[%swap3A_1328, %swap3A_1329, %swap3A_1330, %swap3A_1331] : memref<1x24x80x16xf32, #tpu.memory_space<vmem>>, vector<1x1x80x16xf32>
      %swap3A_1333 = vector.shape_cast %swap3A_1332 : vector<1x1x80x16xf32> to vector<80x16xf32>
      %swap3A_1334 = vector.shape_cast %dot_general3A_1327 : vector<80x16xf32> to vector<1x1x80x16xf32>
      tpu.vector_store %arg8[%swap3A_1328, %swap3A_1329, %swap3A_1330, %swap3A_1331], %swap3A_1334 {strides = array<i32>} : memref<1x24x80x16xf32, #tpu.memory_space<vmem>>, vector<1x1x80x16xf32>,
    }
    %scan3A_1315 = arith.constant 24 : i32
    return
  }
  func.func @transform_0(%arg0: i32, %arg1: i32) -> (i32, i32, i32) {
    %c0_i32 = arith.constant 0 : i32
    %c0_i32_0 = arith.constant 0 : i32
    return %arg0, %arg1, %c0_i32 : i32, i32, i32
  }
  func.func @transform_1(%arg0: i32, %arg1: i32) -> (i32, i32, i32) {
    %c0_i32 = arith.constant 0 : i32
    %c0_i32_0 = arith.constant 0 : i32
    return %arg0, %arg1, %c0_i32 : i32, i32, i32
  }
  func.func @transform_2(%arg0: i32, %arg1: i32) -> (i32, i32, i32) {
    %c0_i32 = arith.constant 0 : i32
    %c0_i32_0 = arith.constant 0 : i32
    %c0_i32_1 = arith.constant 0 : i32
    return %arg0, %c0_i32, %c0_i32_0 : i32, i32, i32
  }
  func.func @transform_3(%arg0: i32, %arg1: i32) -> (i32, i32, i32) {
    %c0_i32 = arith.constant 0 : i32
    %c0_i32_0 = arith.constant 0 : i32
    %c0_i32_1 = arith.constant 0 : i32
    return %arg0, %c0_i32, %c0_i32_0 : i32, i32, i32
  }
  func.func @transform_4(%arg0: i32, %arg1: i32) -> (i32, i32, i32) {
    %c0_i32 = arith.constant 0 : i32
    %c0_i32_0 = arith.constant 0 : i32
    %c0_i32_1 = arith.constant 0 : i32
    return %arg0, %c0_i32, %c0_i32_0 : i32, i32, i32
  }
  func.func @transform_5(%arg0: i32, %arg1: i32) -> (i32, i32, i32) {
    %c0_i32 = arith.constant 0 : i32
    %c0_i32_0 = arith.constant 0 : i32
    %c0_i32_1 = arith.constant 0 : i32
    %c0_i32_2 = arith.constant 0 : i32
    return %c0_i32, %c0_i32_0, %c0_i32_1 : i32, i32, i32
  }
  func.func @transform_6(%arg0: i32, %arg1: i32) -> (i32, i32, i32, i32) {
    %c0_i32 = arith.constant 0 : i32
    %c0_i32_0 = arith.constant 0 : i32
    %c0_i32_1 = arith.constant 0 : i32
    return %arg0, %arg1, %c0_i32, %c0_i32_0 : i32, i32, i32, i32
  }
}

</mosaic_0001>

<sc_bundles>
// kernel: gather_offload_async_start
scs
__scs_entry_jumppad:
0x0: {  	(pc) =	sbr.rel $0x88, $3  }
0x1: {  	(tag) =	ssettag $0x0;
	lr =	simm.s32 $0x1  }
0x2: {  	[smem:$0x3F9F] =	sst lr;
	_ =	strace $0xD0000000  }
0x3: {  	_ = 	snop  }
0x4: {  	_ = 	snop  }
0x5: {  	_ = 	snop  }
0x6: {  	_ = 	snop  }
0x7: {  	_ = 	snop  }
__scs_overlays_trampoline_lowered:
0x8: {  	[smem:$0x3FAE] =	sst s0  }
0x9: {  	[smem:$0x3FAF] =	sst s1  }
0xa: {  	[smem:$0x3FB0] =	sst s2  }
0xb: {  	[smem:$0x3FB1] =	sst s3  }
0xc: {  	[smem:$0x3FB2] =	sst s4  }
0xd: {  	[smem:$0x3FB3] =	sst s5  }
0xe: {  	[smem:$0x3FB4] =	sst s6  }
0xf: {  	[smem:$0x3FB5] =	sst s7  }
0x10: {  	[smem:$0x3FB6] =	sst s8  }
0x11: {  	[smem:$0x3FB7] =	sst s9;
	s0 =	simm.s32 @!p0 $0x0  }
0x12: {  	s1 =	sld [smem:$0x3F9D];
	s0 =	simm.s32 @p0 $0x1  }
0x13: {  	[smem:$0x3FB8] =	sst s0;
	s0 =	simm.s32 @!p1 $0x0  }
0x14: {  	s2 =	sld [smem:$0x3F9C];
	s0 =	simm.s32 @p1 $0x1  }
0x15: {  	[smem:$0x3FB9] =	sst s0;
	s0 =	simm.s32 @!p2 $0x0  }
0x16: {  	s3 =	sld [smem:$0x3FDB];
	s0 =	simm.s32 @p2 $0x1  }
0x17: {  	s4 =	simm.s32 $0x1BF5;
	[smem:$0x3FBB] =	sst s0  }
0x18: {  	s0 =	sld [smem:$0x3F9E];
	_ =	swait.ge [sflag:s4], $0x0  }
0x19: {  	s7 =	sld [smem:$0x3F9F]  }
0x1a: {  	s8 =	sadd.s32 $0xFFFFE003, lr  }
0x1b: {  	s9 =	sadd.s32 $0xFFFFFEF7, lr;
	s5 =	simm.s32 $0xFFFFFFFF;
	p2 =	slt.u32 s8, $0xFFFFF086  }
0x1c: {  	p1 =	slt.u32 s9, $0xF7A;
	s5 =	simm.s32 @!p2 $0x0  }
0x1d: {  	s5 =	simm.s32 @p1 $0x1;
	p0 =	seq.s32 s7, s2  }
0x1e: {  	s7 =	smul.u32 @!p0 $0xF7A, s2;
	p2 =	seq.s32 @!p0 s5, $0x0  }
0x1f: {  	s9 =	smul.u32 $0xF7A, s1;
	s8 =	simm.s32 @!p0 $0x1BF5;
	p2 =	por !p2, p0  }
0x20: {  	[sflag:s8] =	ssyncset.s32 @!p0 $0xFFFFF086;
	s6 =	sadd.s32 @!p0 s3, s7;
	s7 =	simm.s32 @!p0 $0x108  }
0x21: {  	s3 =	sadd.s32 s3, s9;
	s6 =	sadd.s32 @!p0 $0x88, s6;
	s7 =	simm.s32 @p2 $0x1082  }
0x22: {  	[simem:s7], [sflag:s8] =	dma.local @!p0 [hbm:s6], $0xF7A  }
0x23: {  	s9 =	sor.u32 $0xD0000000, s2;
	s6 =	simm.s32 $0x108;
	_ =	swait.ge @!p0 [sflag:s8], $0x0  }
0x24: {  	s3 =	sadd.s32 $0x88, s3;
	s6 =	simm.s32 @!p1 $0x1082;
	[sflag:s4] =	ssyncset.s32 $0xFFFFF086  }
0x25: {  	[simem:s6], [sflag:s4] =	dma.local [hbm:s3], $0xF7A  }
0x26: {  	[smem:$0x3F9F] =	sst s1;
	(tag) =	ssettag s2;
	_ =	strace s9  }
0x27: {  	s1 =	sld [smem:$0x3FAF]  }
0x28: {  	s2 =	sld [smem:$0x3FB0]  }
0x29: {  	s4 =	sld [smem:$0x3FB2]  }
0x2a: {  	p0 =	seq.s32 s5, $0x0;
	s5 =	sld [smem:$0x3FB3]  }
0x2b: {  	s6 =	sld [smem:$0x3FB4]  }
0x2c: {  	s7 =	sld [smem:$0x3FB5]  }
0x2d: {  	s3 =	simm.s32 $0x108;
	s8 =	sld [smem:$0x3FB6]  }
0x2e: {  	s3 =	simm.s32 @!p0 $0x1082;
	s9 =	sld [smem:$0x3FB7]  }
0x2f: {  	lr =	sadd.s32 s0, s3;
	s0 =	sld [smem:$0x3FAE]  }
0x30: {  	s3 =	sld [smem:$0x3FB1]  }
0x31: {  	[smem:$0x3FBA] =	sst s10  }
0x32: {  	s10 =	sld [smem:$0x3FB8];
	_ =	sdelay $0x3  }
0x33: {  	p0 =	seq.s32 s10, $0x1;
	s10 =	sld [smem:$0x3FBA];
	_ =	sdelay $0x3  }
0x34: {  	[smem:$0x3FBA] =	sst s10  }
0x35: {  	s10 =	sld [smem:$0x3FB9];
	_ =	sdelay $0x3  }
0x36: {  	p1 =	seq.s32 s10, $0x1;
	s10 =	sld [smem:$0x3FBA];
	_ =	sdelay $0x3  }
0x37: {  	[smem:$0x3FBA] =	sst s10  }
0x38: {  	s10 =	sld [smem:$0x3FBB]  }
0x39: {  	_ = 	snop;
	(pc) =	sbr.ind lr, $3  }
0x3a: {  	_ = 	snop  }
0x3b: {  	_ = 	snop  }
0x3c: {  	p2 =	seq.s32 s10, $0x1;
	s10 =	sld [smem:$0x3FBA]  }
0x3d: {  	_ =	shalt  }
0x3e: {  	_ =	shalt  }
0x3f: {  	_ =	shalt  }
0x40: {  	_ =	shalt  }
0x41: {  	_ =	shalt  }
0x42: {  	_ =	shalt  }
0x43: {  	_ =	shalt  }
0x44: {  	_ =	shalt  }
0x45: {  	_ =	shalt  }
0x46: {  	_ =	shalt  }
0x47: {  	_ =	shalt  }
0x48: {  	_ =	shalt  }
0x49: {  	_ =	shalt  }
0x4a: {  	_ =	shalt  }
0x4b: {  	_ =	shalt  }
0x4c: {  	_ =	shalt  }
0x4d: {  	_ =	shalt  }
0x4e: {  	_ =	shalt  }
0x4f: {  	_ =	shalt  }
0x50: {  	_ =	shalt  }
0x51: {  	_ =	shalt  }
0x52: {  	_ =	shalt  }
0x53: {  	_ =	shalt  }
0x54: {  	_ =	shalt  }
0x55: {  	_ =	shalt  }
0x56: {  	_ =	shalt  }
0x57: {  	_ =	shalt  }
0x58: {  	_ =	shalt  }
0x59: {  	_ =	shalt  }
0x5a: {  	_ =	shalt  }
0x5b: {  	_ =	shalt  }
0x5c: {  	_ =	shalt  }
0x5d: {  	_ =	shalt  }
0x5e: {  	_ =	shalt  }
0x5f: {  	_ =	shalt  }
0x60: {  	_ =	shalt  }
0x61: {  	_ =	shalt  }
0x62: {  	_ =	shalt  }
0x63: {  	_ =	shalt  }
0x64: {  	_ =	shalt  }
0x65: {  	_ =	shalt  }
0x66: {  	_ =	shalt  }
0x67: {  	_ =	shalt  }
0x68: {  	_ =	shalt  }
0x69: {  	_ =	shalt  }
0x6a: {  	_ =	shalt  }
0x6b: {  	_ =	shalt  }
0x6c: {  	_ =	shalt  }
0x6d: {  	_ =	shalt  }
0x6e: {  	_ =	shalt  }
0x6f: {  	_ =	shalt  }
0x70: {  	_ =	shalt  }
0x71: {  	_ =	shalt  }
0x72: {  	_ =	shalt  }
0x73: {  	_ =	shalt  }
0x74: {  	_ =	shalt  }
0x75: {  	_ =	shalt  }
0x76: {  	_ =	shalt  }
0x77: {  	_ =	shalt  }
0x78: {  	_ =	shalt  }
0x79: {  	_ =	shalt  }
0x7a: {  	_ =	shalt  }
0x7b: {  	_ =	shalt  }
0x7c: {  	_ =	shalt  }
0x7d: {  	_ =	shalt  }
0x7e: {  	_ =	shalt  }
0x7f: {  	_ =	shalt  }
0x80: {  	_ =	shalt  }
0x81: {  	_ =	shalt  }
0x82: {  	_ =	shalt  }
0x83: {  	_ =	shalt  }
0x84: {  	_ =	shalt  }
0x85: {  	_ =	shalt  }
0x86: {  	_ =	shalt  }
0x87: {  	_ =	shalt  }
.Lfunc_end0:
.L_simem_size_0:
called_computation_lowered:
.L_overlay_start_0:
0x88: {  	s2 =	sld [smem:$0x3FD9]  }
0x89: {  	s3 =	sld [smem:$0x3FFE];
	_ =	sdelay $0x1  }
0x8a: {  	s1 =	srdreg.scid  }
0x8b: {  	s0 =	sand.u32 $0x1, s1  }
0x8c: {  	s17 =	sshll.u32 s0, $0xA;
	s2 =	sadd.s32 s3, s2  }
0x8d: {  	s2 =	sadd.s32 s2, s17  }
0x8e: {  	[smem:$0x3FC6] =	sst s2  }
0x8f: {  	_ = 	snop  }
0x90: {  	s2 =	sld [smem:$0x3FD0];
	(tm) =	ssettm $0x1  }
0x91: {  	s18 =	sld [smem:$0x3FFB];
	_ =	sdelay $0x3  }
0x92: {  	_ =	strace s18  }
0x93: {  	s3 =	sld [smem:$0x3FFC];
	_ =	sdelay $0x3  }
0x94: {  	_ =	strace s3  }
0x95: {  	s3 =	sld [smem:$0x3FFD];
	_ =	sdelay $0x3  }
0x96: {  	_ =	strace s3  }
0x97: {  	_ =	strace $0x8FFFFFFF  }
0x98: {  	s19 =	sld [smem:$0x3FDB];
	_ =	sdelay $0x1  }
0x99: {  	s4 =	simm.s32 $_scs_section_size  }
0x9a: {  	s5 =	simm.s32 $_size__tile_overlayer_lowered;
	s6 =	simm.s32 $_tile_overlayer_lowered  }
0x9b: {  	s22 =	simm.s32 $0x1BFF;
	s21 =	sshll.u32 s6, $0x1;
	s3 =	sadd.s32 s4, s19  }
0x9c: {  	s7 =	simm.s32 $0x0;
	s20 =	sshll.u32 s5, $0x1;
	s5 =	sadd.s32 s21, s3  }
0x9d: {  	[timem:s7], [sflag:s22] =	dma.local [hbm:s5], s20  }
0x9e: {  	_ =	swait.ge [sflag:s22], s20  }
0x9f: {  	s4 =	ssub.s32 $0x0, s20;
	[sflag:s22] =	ssyncset.done $0x0  }
0xa0: {  	[sflag:s22] =	ssyncadd.s32 s4;
	_ =	sdelay $0x1  }
0xa1: {  	s23 =	simm.s32 $0x1B8B  }
0xa2: {  	_ =	swait.ge [sflag:s23], $0x1  }
0xa3: {  	[sflag:s23] =	ssyncset.done $0x0  }
0xa4: {  	s25 =	simm.s32 $0x1B8E;
	s24 =	sld [smem:$0x3FFE];
	[sflag:s23] =	ssyncadd.s32 $0xFFFFFFFF  }
0xa5: {  	s26 =	simm.s32 $execute0_lowered;
	[smem:$0x3FD2] =	sst s25  }
0xa6: {  	s5 =	sshll.u32 s26, $0x1;
	_ =	strace $0x80000046;
	[dreg:$0x1] =	wrdreg $0xFFFFFFFF  }
0xa7: {  	s28 =	simm.s32 $_size_execute0_lowered;
	s3 =	sadd.s32 s3, s5;
	[dreg:$0x0] =	wrdreg $0x0  }
0xa8: {  	s5 =	sshll.u32 s28, $0x1;
	[dreg:$0x2] =	wrdreg s3  }
0xa9: {  	[dreg:$0x3] =	wrdreg s5  }
0xaa: {  	[dreg:$0x4] =	wrdreg $0xC0  }
0xab: {  	_ =	task [dreg:s7], $0x5FFFF  }
0xac: {  	[dreg:$0x1] =	wrdreg $0xFFFFFFFF  }
0xad: {  	[dreg:$0x0] =	wrdreg $0x60  }
0xae: {  	[dreg:$0x2] =	wrdreg s2  }
0xaf: {  	[dreg:$0x3] =	wrdreg s24  }
0xb0: {  	[dreg:$0x4] =	wrdreg $0x9  }
0xb1: {  	_ =	task.clear_ibuf [dreg:s7], $0x5FFFF;
	_ =	strace $0x90000046  }
0xb2: {  	s29 =	simm.s32 $0x9;
	_ =	strace $0x80000048  }
0xb3: {  	_ =	swait.ge [sflag:s29], $0x1  }
0xb4: {  	[sflag:s29] =	ssyncadd.s32 $0xFFFFFFFF  }
0xb5: {  	_ =	strace $0x90000048  }
0xb6: {  	_ =	sfence  }
0xb7: {  	s30 =	sld [smem:$0x0];
	_ =	sdelay $0x2  }
0xb8: {  	s31 =	sshll.u32 s1, $0xD;
	s1 =	sshrl.u32 s1, $0x2  }
0xb9: {  	s3 =	sand.u32 $0x4000, s31;
	s1 =	sadd.s32 s1, s30  }
0xba: {  	s0 =	sor.u32 s3, s0;
	s1 =	sshll.u32 s1, $0x11  }
0xbb: {  	s0 =	sor.u32 s1, s0  }
0xbc: {  	s0 =	sadd.s32 $0x8F2B, s0  }
0xbd: {  	[sflag:s0] =	ssyncadd.remote.s32 $0x1  }
0xbe: {  	_ =	sfence.sel $0xFFFF  }
0xbf: {  	[dreg:$0x0] =	wrdreg $0xFFFFFFFF;
	(pc) =	sbr.abs _section_cstart, $3  }
0xc0: {  	[dreg:$0x1] =	wrdreg $0xFFFFFFFF  }
0xc1: {  	_ =	task.clear_ibuf [dreg:s7], $0x2FFFF;
	_ =	strace $0x9FFFFFFF  }
0xc2: {  	(tm) =	ssettm $0x7FFFFFFF  }
0xc3: {  	_ =	shalt  }
tec
execute0_lowered:
.L_overlay_start_1:
0x0: {  	(tag) =	ssettag $0x1  }
0x1: {  	s0 =	srdreg.scid  }
0x2: {  	s1 =	sshll.u32 s0, $0x4  }
0x3: {  	s0 =	stileid.u32;
	s1 =	sand.u32 $0x10, s1  }
0x4: {  	s1 =	sor.u32 s0, s1  }
0x5: {  	s9 =	rddreg [dreg:$0x1];
	s6 =	simm.s32 $0x1;
	s2 =	smin.u32 s1, $0x4  }
0x6: {  	p0 =	slt.u32 s1, $0x4;
	s3 =	sadd.s32 s1, s2;
	s1 =	simm.s32 $0x40  }
0x7: {  	s7 =	simm.s32 $0x2;
	s3 =	sshll.u32 s3, $0x5;
	s1 =	simm.s32 @!p0 $0x20  }
0x8: {  	s10 =	simm.s32 $0x3;
	s13 =	simm.s32 $0x0;
	s4 =	sadd.s32 s1, s3  }
0x9: {  	s12 =	simm.s32 $0x0;
	s5 =	sadd.s32 $0x600, s9;
	s4 =	smin.u32 s4, $0x480  }
.Ltmp0:
0xa: {  	s2 =	rddreg [dreg:$0x0];
	s8 =	ssub.s32 s4, s3;
	(pc) =	sbr.rel .LBB2_1-.Ltmp0, $4  }
0xb: {  	s1 =	rddreg [dreg:$0x2];
	_ =	strace $0x80000047;
	p0 =	sgt.s32 s8, $0x0  }
0xc: {  	s9 =	sadd.s32 $0x800, s9;
	[sflag:s6] =	ssyncpa.u1 $0x0;
	s8 =	simm.s32 @!p0 $0x0  }
0xd: {  	s11 =	smov.u32 s3;
	[sflag:s7] =	ssyncpa.u1 $0x0;
	s8 =	sshrl.u32 s8, $0x5  }
0xe: {  	vm0 =	vmmov $0xff;
	vm1 =	vcmask $0x3F20;
	[sflag:s10] =	ssyncpa.u1 $0x0;
	p0 =	por $0x0, $0x0;
	s10 =	sadd.s32 $0x1, s8  }
.LBB2_6:
0xf: {  	[hbm:s17] =	stream.linear.scatter [tilespmem:s14], [sflag:$0x3], $0x400, $0x38;
	[tilespmem:$0x2040] =	vst v63  }
.LBB2_7:
0x10: {  	s13 =	sadd.s32 $0x20, s11  }
0x11: {  	s15 =	smov.u32 s3;
	p2 =	slt.s32 s13, s4  }
0x12: {  	s15 =	smov.u32 @p2 s13;
	p2 =	sne.s32 s12, s10  }
.Ltmp1:
0x13: {  	p1 =	slt.u32 s12, $0x2;
	(pc) =	sbr.rel @!p2 .LBB2_8-.Ltmp1, $4  }
0x14: {  	s14 =	simm.s32 @!p1 $0x3  }
0x15: {  	s16 =	sadd.s32 $0x1, s12;
	_ =	swait.ge @!p1 [sflag:s14], $0x1000  }
0x16: {  	p0 =	por !p0, !p0;
	s13 =	smov.u32 s11;
	[sflag:s14] =	ssyncset.done @!p1 $0x0  }
0x17: {  	s12 =	smov.u32 s16;
	s11 =	smov.u32 s15;
	[sflag:s14] =	ssyncadd.s32 @!p1 $0xFFFFF000  }
.LBB2_1:
0x18: {  	p1 =	sge.u32 s12, s8  }
0x19: {  	s14 =	sxor.u32 @!p1 $0xFFFFFFFF, s12  }
0x1a: {  	s31 =	sadd.s32 $0xFFFFFFFF, s12;
	s15 =	sshrl.u32 @!p1 s11, $0x3;
	s14 =	sshll.u32 @!p1 s14, $0x5  }
0x1b: {  	s16 =	sand.u32 @!p1 $0x7, s11;
	s15 =	sadd.s32 @!p1 s5, s15;
	s14 =	sand.u32 @!p1 $0x20, s14  }
0x1c: {  	[tilespmem:s14], [sflag:$0x2] =	stream.linear.gather @!p1 [hbm4b:s15+s16], $0x20, $0x38;
	[tilespmem:$0x2040] =	vst v63  }
0x1d: {  	p1 =	sge.u32 s31, s8  }
.Ltmp2:
0x1e: {  	_ = 	snop;
	(pc) =	sbr.rel @p1 .LBB2_7-.Ltmp2, $1  }
0x1f: {  	_ =	sdelay $0x3  }
0x20: {  	s14 =	simm.s32 $0x1  }
0x21: {  	_ =	swait.ge [sflag:s7], $0x20;
	s16 =	sand.u32 $0x1, s12;
	s17 =	simm.s32 $0x0  }
0x22: {  	p1 =	por $0x1, $0x1;
	s14 =	simm.s32 @!p0 $0x0;
	[sflag:s7] =	ssyncset.done $0x0  }
0x23: {  	s15 =	sshll.u32 s16, $0x5;
	s16 =	sshll.u32 s16, $0xC;
	s14 =	sshll.u32 s14, $0xC  }
0x24: {  	[sflag:s7] =	ssyncadd.s32 $0xFFFFFFE0;
	s16 =	sor.u32 $0x40, s16;
	s14 =	sor.u32 $0x40, s14  }
.LBB2_3:
0x25: {  	s18 =	sshll.u32 s17, $0x4  }
0x26: {  	s18 =	sand.u32 $0x3FFFFFF0, s18  }
0x27: {  	s18 =	sadd.s32 s18, s15  }
0x28: {  	v0 =	vld.msk [tilespmem:s18+$0x0 ss:$0x1], $0xffff;
	_ =	sdelay $0x4  }
0x29: {  	v1 =	vand.u32 $0x3F, v0;
	v2 =	vshll.u32 v0, $0x1  }
0x2a: {  	vm2 =	veq.s32 v0, $0x80000000;
	v61 =	vmul.u32 $0x1800, v1;
	v62 =	vand.u32 $0x1F80, v2  }
0x2b: {  	v1 =	vsel vm2, $0xFFFFFF80, v62  }
0x2c: {  	v0 =	vsel vm2, $0xFFFFE800, v61;
	v63 =	vand.u32 $0xFFFFFC00, v1  }
0x2d: {  	v1 =	vand.u32 $0x380, v1;
	v0 =	vadd.s32 v0, v63  }
0x2e: {  	v0 =	vor.u32 v1, v0  }
0x2f: {  	v0 =	vshrl.u32 v0, $0x3;
	_ =	sdelay $0x1  }
0x30: {  	s31 =	sshll.u32 s17, $0xB  }
0x31: {  	p2 =	por p1, p1;
	s17 =	sand.u32 $0x3FFFF800, s31  }
.Ltmp3:
0x32: {  	s17 =	sadd.s32 s17, s16;
	(pc) =	sbr.rel @p2 .LBB2_3-.Ltmp3, $4  }
0x33: {  	[tilespmem:s17], [sflag:$0x1] =	stream.indirect_vreg.gather [hbm:s2], $0x80, v0, vm0, $0x38;
	[tilespmem:$0x2040] =	vst v63  }
0x34: {  	s17 =	sadd.s32 $0x400, s17  }
0x35: {  	[tilespmem:s17], [sflag:$0x1] =	stream.indirect_vreg.gather [hbm:s2], $0x80, v0, vm1, $0x38;
	[tilespmem:$0x2040] =	vst v63  }
0x36: {  	p1 =	por $0x0, $0x0;
	s17 =	simm.s32 $0x1  }
0x37: {  	_ =	swait.ge [sflag:s6], $0x1000;
	s13 =	sshll.u32 s13, $0x4  }
0x38: {  	s15 =	simm.s32 $0x80;
	[sflag:s6] =	ssyncset.done $0x0;
	s13 =	sadd.s32 s13, s9  }
0x39: {  	s16 =	sadd.s32 $0x400, s14;
	[sflag:s6] =	ssyncadd.s32 $0xFFFFF000;
	s17 =	sadd.s32 $0x0, s13  }
.LBB2_5:
0x3a: {  	[hbm:s17] =	stream.linear.scatter [tilespmem:s14], [sflag:$0x3], $0x400, $0x38;
	[tilespmem:$0x2040] =	vst v63  }
0x3b: {  	s17 =	smov.u32 s15;
	s14 =	smov.u32 s16;
	p1 =	sne.s32 s15, $0x180  }
.Ltmp4:
0x3c: {  	s15 =	sadd.s32 $0x80, s15;
	(pc) =	sbr.rel @p1 .LBB2_5-.Ltmp4, $2  }
0x3d: {  	_ =	sdelay $0x2  }
0x3e: {  	s16 =	sadd.s32 $0x400, s16;
	s17 =	sadd.s32 s17, s13  }
.Ltmp5:
0x3f: {  	_ = 	snop;
	(pc) =	sbr.rel .LBB2_6-.Ltmp5, $1  }
0x40: {  	_ =	sdelay $0x3  }
.LBB2_8:
0x41: {  	_ =	sfence.sel $0x180000  }
0x42: {  	s2 =	simm.s32 $0x2;
	[bflag:$0x0] =	sbarrier.arrive $0xFFFF  }
0x43: {  	s30 =	simm.s32 $0x3;
	[sflag:s2] =	ssyncpa.u1 $0x1  }
0x44: {  	s31 =	simm.s32 $0x1;
	[sflag:s30] =	ssyncpa.u1 $0x1  }
0x45: {  	[sflag:s31] =	ssyncpa.u1 $0x1  }
0x46: {  	p0 =	sne.s32 s0, $0x0;
	_ =	strace $0x90000047  }
0x47: {  	s0 =	sadd.s32 @!p0 $0x100000, s1;
	[bflag:$0x2] =	sbarrier.arrive $0xFFFF  }
0x48: {  	[sflag:s0] =	ssyncadd.tile.s32 @!p0 $0x1;
	_ =	shalt  }
.Lfunc_end2:
_tile_overlayer_lowered:
.L_overlay_start_2:
0x49: {  	(tag) =	ssettag $0x2  }
0x4a: {  	s0 =	rddreg [dreg:$0x0];
	s2 =	stileid.u32  }
0x4b: {  	s1 =	rddreg [dreg:$0x1];
	p0 =	sne.s32 s2, $0x0  }
0x4c: {  	s3 =	rddreg [dreg:$0x2];
	[bflag:$0x3] =	sbarrier.arrive $0xFFFF;
	s2 =	simm.s32 @!p0 $0x1C01  }
0x4d: {  	[timem:s3], [sflag:s2] =	dma.local @!p0 [hbm:s0], s1  }
0x4e: {  	s0 =	simm.s32 @!p0 $0x1  }
0x4f: {  	_ =	swait.ge @!p0 [sflag:s0], s1  }
0x50: {  	s1 =	ssub.s32 @!p0 $0x0, s1;
	[sflag:s0] =	ssyncset.done @!p0 $0x0  }
0x51: {  	[sflag:s0] =	ssyncadd.s32 @!p0 s1  }
0x52: {  	[bflag:$0x3] =	sbarrier.arrive $0xFFFF  }
0x53: {  	_ =	shalt  }

</sc_bundles>
